<compile_context>
chip_gen: v7x
topology: tpu7x:2x2x1
jax: 0.10.2.dev20260603
libtpu: 0.0.44.dev20260713+nightly
codegen_flags: <defaults>
</compile_context>

<pallas_src>
import functools

import jax
from jax import lax
import jax.numpy as jnp
from jax.experimental import pallas as pl
from jax.experimental.pallas import tpu as pltpu
from jax.experimental.pallas import tpu_sc as plsc

B, S, D, H, E, K = 2, 2048, 1024, 16, 8, 2
DH = D // H
N = B * S
EPS = 1e-5



TB0 = 1024


def _qkv_kernel(x_ref, w_ref, b_ref, qkv_ref):
    x_bf = x_ref[...].astype(jnp.bfloat16)
    y = jnp.dot(x_bf, w_ref[...], preferred_element_type=jnp.float32)
    qkv_ref[...] = (y + b_ref[0]).astype(jnp.bfloat16)


def _run_qkv(x2, w_qkv_bf, b_qkv):
    return pl.pallas_call(
        _qkv_kernel,
        grid=(N // TB0,),
        in_specs=[
            pl.BlockSpec((TB0, D), lambda i: (i, 0)),
            pl.BlockSpec((D, 3 * D), lambda i: (0, 0)),
            pl.BlockSpec((1, 3 * D), lambda i: (0, 0)),
        ],
        out_specs=pl.BlockSpec((TB0, 3 * D), lambda i: (i, 0)),
        out_shape=jax.ShapeDtypeStruct((N, 3 * D), jnp.bfloat16),
        compiler_params=pltpu.CompilerParams(
            dimension_semantics=("arbitrary",)),
    )(x2, w_qkv_bf, b_qkv)



HPG = 2
HD2 = HPG * DH
QC = 1024
NG = H // HPG


def _attn_kernel(q_ref, k_ref, v_ref, o_ref):
    q2 = q_ref[0]
    k2 = k_ref[0]
    v2 = v_ref[0]
    for hh in range(HPG):
        k_h = k2[:, hh * DH:(hh + 1) * DH]
        v_h = v2[:, hh * DH:(hh + 1) * DH]
        for c in range(S // QC):
            q_h = q2[c * QC:(c + 1) * QC, hh * DH:(hh + 1) * DH]
            scores = jax.lax.dot_general(
                q_h, k_h, (((1,), (1,)), ((), ())),
                preferred_element_type=jnp.float32)
            m = jnp.max(scores, axis=1, keepdims=True)
            p = jnp.exp(scores - m)
            rs = 1.0 / jnp.sum(p, axis=1, keepdims=True)
            o = jnp.dot(p.astype(jnp.bfloat16), v_h,
                        preferred_element_type=jnp.float32) * rs
            o_ref[0, c * QC:(c + 1) * QC, hh * DH:(hh + 1) * DH] = (
                o.astype(jnp.bfloat16))


def _run_attention(qkv3):
    return pl.pallas_call(
        _attn_kernel,
        grid=(B, NG),
        in_specs=[
            pl.BlockSpec((1, S, HD2), lambda b, g: (b, 0, g)),
            pl.BlockSpec((1, S, HD2), lambda b, g: (b, 0, NG + g)),
            pl.BlockSpec((1, S, HD2), lambda b, g: (b, 0, 2 * NG + g)),
        ],
        out_specs=pl.BlockSpec((1, S, HD2), lambda b, g: (b, 0, g)),
        out_shape=jax.ShapeDtypeStruct((B, S, D), jnp.bfloat16),
        compiler_params=pltpu.CompilerParams(
            dimension_semantics=("arbitrary", "arbitrary")),
    )(qkv3, qkv3, qkv3)



TB2 = 512


def _mid_kernel(o_ref, x_ref, wo_ref, beff_ref, g1_ref, b1_ref,
                gw_ref, gb_ref, h_ref, gate_ref, o1_ref, o2_ref,
                w0_ref, w1_ref):
    o_bf = o_ref[...].astype(jnp.bfloat16)
    wo = wo_ref[...].astype(jnp.bfloat16)
    ao = jnp.dot(o_bf, wo, preferred_element_type=jnp.float32) + beff_ref[0]
    r = x_ref[...] + ao
    mu = jnp.mean(r, axis=1, keepdims=True)
    c = r - mu
    var = jnp.mean(c * c, axis=1, keepdims=True)
    h = c / jnp.sqrt(var + EPS) * g1_ref[0] + b1_ref[0]
    h_ref[...] = h
    logits = jax.lax.dot_general(
        h.astype(jnp.bfloat16), gw_ref[...].astype(jnp.bfloat16),
        (((1,), (0,)), ((), ())),
        preferred_element_type=jnp.float32) + gb_ref[0]
    lm = jnp.max(logits, axis=1, keepdims=True)
    pe = jnp.exp(logits - lm)
    gate = pe / jnp.sum(pe, axis=1, keepdims=True)
    gate_ref[...] = gate
    iot = jax.lax.broadcasted_iota(jnp.int32, (TB2, E), 1)
    i1 = jnp.argmax(gate, axis=1)
    m1 = jnp.max(gate, axis=1)
    mask1 = iot == i1[:, None]
    g2 = jnp.where(mask1, -1.0, gate)
    i2 = jnp.argmax(g2, axis=1)
    m2 = jnp.max(g2, axis=1)
    mask2 = iot == i2[:, None]
    ws = m1 + m2
    o1_ref[...] = mask1.astype(jnp.float32)
    o2_ref[...] = mask2.astype(jnp.float32)
    w0_ref[...] = (m1 / ws)[:, None]
    w1_ref[...] = (m2 / ws)[:, None]


def _run_mid(o2, x2, wo_t, b_eff, ln1_g, ln1_b, gate_w, gate_b):
    return pl.pallas_call(
        _mid_kernel,
        grid=(N // TB2,),
        in_specs=[
            pl.BlockSpec((TB2, D), lambda i: (i, 0)),
            pl.BlockSpec((TB2, D), lambda i: (i, 0)),
            pl.BlockSpec((D, D), lambda i: (0, 0)),
            pl.BlockSpec((1, D), lambda i: (0, 0)),
            pl.BlockSpec((1, D), lambda i: (0, 0)),
            pl.BlockSpec((1, D), lambda i: (0, 0)),
            pl.BlockSpec((D, E), lambda i: (0, 0)),
            pl.BlockSpec((1, E), lambda i: (0, 0)),
        ],
        out_specs=[
            pl.BlockSpec((TB2, D), lambda i: (i, 0)),
            pl.BlockSpec((TB2, E), lambda i: (i, 0)),
            pl.BlockSpec((TB2, E), lambda i: (i, 0)),
            pl.BlockSpec((TB2, E), lambda i: (i, 0)),
            pl.BlockSpec((TB2, 1), lambda i: (i, 0)),
            pl.BlockSpec((TB2, 1), lambda i: (i, 0)),
        ],
        out_shape=[
            jax.ShapeDtypeStruct((N, D), jnp.float32),
            jax.ShapeDtypeStruct((N, E), jnp.float32),
            jax.ShapeDtypeStruct((N, E), jnp.float32),
            jax.ShapeDtypeStruct((N, E), jnp.float32),
            jax.ShapeDtypeStruct((N, 1), jnp.float32),
            jax.ShapeDtypeStruct((N, 1), jnp.float32),
        ],
        compiler_params=pltpu.CompilerParams(
            dimension_semantics=("arbitrary",)),
    )(o2, x2, wo_t, b_eff, ln1_g, ln1_b, gate_w, gate_b)



RB = 512
NA = 2 * N
CAP = N


def _route_kernel(ot_ref, slots_ref, counts_ref, carry_ref):
    i = pl.program_id(0)

    @pl.when(i == 0)
    def _():
        carry_ref[...] = jnp.zeros_like(carry_ref)

    ot = ot_ref[...]
    r = jax.lax.broadcasted_iota(jnp.int32, (RB, RB), 0)
    c = jax.lax.broadcasted_iota(jnp.int32, (RB, RB), 1)
    m = (r < c).astype(jnp.float32)
    prefix = jax.lax.dot_general(
        ot, m, (((1,), (0,)), ((), ())),
        preferred_element_type=jnp.float32) + carry_ref[:, 0:1]
    rank = jnp.sum(ot * prefix, axis=0, keepdims=True)
    evec = jnp.sum(
        ot * jax.lax.broadcasted_iota(jnp.int32, (E, RB), 0).astype(
            jnp.float32),
        axis=0, keepdims=True)
    slots_ref[0] = (evec * CAP + rank).astype(jnp.int32)
    carry_ref[...] += jnp.broadcast_to(
        jnp.sum(ot, axis=1, keepdims=True), carry_ref.shape)

    @pl.when(i == NA // RB - 1)
    def _():
        counts_ref[...] = carry_ref[:, 0:1]


def _run_route(o_t):
    return pl.pallas_call(
        _route_kernel,
        grid=(NA // RB,),
        in_specs=[pl.BlockSpec((E, RB), lambda i: (0, i))],
        out_specs=[
            pl.BlockSpec((1, 1, RB), lambda i: (i, 0, 0)),
            pl.BlockSpec((E, 1), lambda i: (0, 0)),
        ],
        out_shape=[
            jax.ShapeDtypeStruct((NA // RB, 1, RB), jnp.int32),
            jax.ShapeDtypeStruct((E, 1), jnp.float32),
        ],
        scratch_shapes=[pltpu.VMEM((E, 128), jnp.float32)],
        compiler_params=pltpu.CompilerParams(
            dimension_semantics=("arbitrary",)),
    )(o_t)



NC, NS = 2, 16
NW = NC * NS
TPW = N // NW
CHUNK = 64
@functools.lru_cache(maxsize=None)
def _sc_mesh():
    return plsc.VectorSubcoreMesh(core_axis_name="c", subcore_axis_name="s")


def _sc_dispatch_kernel(h_hbm, s0_hbm, s1_hbm, hd_hbm, idx0_v, idx1_v,
                        rows_v, sem):
    wid = lax.axis_index("s") * NC + lax.axis_index("c")
    base = wid * TPW
    for cnk in range(TPW // CHUNK):
        off = base + cnk * CHUNK
        pltpu.sync_copy(h_hbm.at[pl.ds(off, CHUNK)], rows_v)
        pltpu.sync_copy(s0_hbm.at[pl.ds(off, CHUNK)], idx0_v)
        pltpu.sync_copy(s1_hbm.at[pl.ds(off, CHUNK)], idx1_v)
        c0 = pltpu.async_copy(rows_v, hd_hbm.at[idx0_v], sem)
        c1 = pltpu.async_copy(rows_v, hd_hbm.at[idx1_v], sem)
        c0.wait()
        c1.wait()


def _run_sc_dispatch(h, slots0, slots1):
    return pl.kernel(
        _sc_dispatch_kernel,
        mesh=_sc_mesh(),
        out_type=jax.ShapeDtypeStruct((E * CAP, D), jnp.float32),
        scratch_types=[
            pltpu.VMEM((CHUNK,), jnp.int32),
            pltpu.VMEM((CHUNK,), jnp.int32),
            pltpu.VMEM((CHUNK, D), jnp.float32),
            pltpu.SemaphoreType.DMA,
        ],
    )(h, slots0, slots1)


def _sc_combine_kernel(y_hbm, s0_hbm, s1_hbm, yb0_hbm, yb1_hbm,
                       idx_v, rows_v, sem):
    wid = lax.axis_index("s") * NC + lax.axis_index("c")
    base = wid * TPW
    for cnk in range(TPW // CHUNK):
        off = base + cnk * CHUNK
        pltpu.sync_copy(s0_hbm.at[pl.ds(off, CHUNK)], idx_v)
        pltpu.async_copy(y_hbm.at[idx_v], rows_v, sem).wait()
        pltpu.sync_copy(rows_v, yb0_hbm.at[pl.ds(off, CHUNK)])
        pltpu.sync_copy(s1_hbm.at[pl.ds(off, CHUNK)], idx_v)
        pltpu.async_copy(y_hbm.at[idx_v], rows_v, sem).wait()
        pltpu.sync_copy(rows_v, yb1_hbm.at[pl.ds(off, CHUNK)])


def _run_sc_combine(y_disp, slots0, slots1):
    return pl.kernel(
        _sc_combine_kernel,
        mesh=_sc_mesh(),
        out_type=[
            jax.ShapeDtypeStruct((N, D), jnp.float32),
            jax.ShapeDtypeStruct((N, D), jnp.float32),
        ],
        scratch_types=[
            pltpu.VMEM((CHUNK,), jnp.int32),
            pltpu.VMEM((CHUNK, D), jnp.float32),
            pltpu.SemaphoreType.DMA,
        ],
    )(y_disp, slots0, slots1)



CBLK = 256
CB = CAP // CBLK


def _gmm_kernel(counts_ref, h_ref, ew_ref, eb_ref, y_ref):
    e = pl.program_id(0)
    cb = pl.program_id(1)

    @pl.when(cb * CBLK < counts_ref[e])
    def _():
        h_bf = h_ref[...].astype(jnp.bfloat16)
        ew = ew_ref[0].astype(jnp.bfloat16)
        y_ref[...] = jnp.dot(
            h_bf, ew, preferred_element_type=jnp.float32) + eb_ref[0]


def _run_gmm(counts, h_disp, expert_w, expert_b3):
    def in_map(e, cb, cnt):
        return (jnp.where(cb * CBLK < cnt[e], e * CB + cb, 0), 0)

    def out_map(e, cb, cnt):
        return (jnp.where(cb * CBLK < cnt[e], e * CB + cb, E * CB), 0)

    grid_spec = pltpu.PrefetchScalarGridSpec(
        num_scalar_prefetch=1,
        grid=(E, CB),
        in_specs=[
            pl.BlockSpec((CBLK, D), in_map),
            pl.BlockSpec((1, D, D), lambda e, cb, cnt: (e, 0, 0)),
            pl.BlockSpec((1, 1, D), lambda e, cb, cnt: (e, 0, 0)),
        ],
        out_specs=pl.BlockSpec((CBLK, D), out_map),
    )
    y_ext = pl.pallas_call(
        _gmm_kernel,
        grid_spec=grid_spec,
        out_shape=jax.ShapeDtypeStruct((E * CAP + CBLK, D), jnp.float32),
        compiler_params=pltpu.CompilerParams(
            dimension_semantics=("arbitrary", "arbitrary")),
    )(counts, h_disp, expert_w, expert_b3)
    return y_ext



TB4 = 512


def _final_kernel(h_ref, y0_ref, y1_ref, w0_ref, w1_ref, g2_ref, b2_ref,
                  out_ref):
    r = h_ref[...] + w0_ref[...] * y0_ref[...] + w1_ref[...] * y1_ref[...]
    mu = jnp.mean(r, axis=1, keepdims=True)
    c = r - mu
    var = jnp.mean(c * c, axis=1, keepdims=True)
    out_ref[...] = c / jnp.sqrt(var + EPS) * g2_ref[0] + b2_ref[0]


def _run_final(h, yb0, yb1, w0, w1, ln2_g, ln2_b):
    return pl.pallas_call(
        _final_kernel,
        grid=(N // TB4,),
        in_specs=[
            pl.BlockSpec((TB4, D), lambda i: (i, 0)),
            pl.BlockSpec((TB4, D), lambda i: (i, 0)),
            pl.BlockSpec((TB4, D), lambda i: (i, 0)),
            pl.BlockSpec((TB4, 1), lambda i: (i, 0)),
            pl.BlockSpec((TB4, 1), lambda i: (i, 0)),
            pl.BlockSpec((1, D), lambda i: (0, 0)),
            pl.BlockSpec((1, D), lambda i: (0, 0)),
        ],
        out_specs=pl.BlockSpec((TB4, D), lambda i: (i, 0)),
        out_shape=jax.ShapeDtypeStruct((N, D), jnp.float32),
        compiler_params=pltpu.CompilerParams(
            dimension_semantics=("arbitrary",)),
    )(h, yb0, yb1, w0, w1, ln2_g, ln2_b)



@jax.jit
def kernel(x, in_proj_w, in_proj_b, out_proj_w, out_proj_b, ln1_g, ln1_b,
           ln2_g, ln2_b, gate_w, gate_b, expert_w, expert_b):
    scale = 1.0 / jnp.sqrt(jnp.float32(DH))
    w_qkv = jnp.concatenate(
        [in_proj_w[:D].T * scale, in_proj_w[D:2 * D].T, in_proj_w[2 * D:].T],
        axis=1).astype(jnp.bfloat16)
    b_qkv = jnp.concatenate(
        [in_proj_b[:D] * scale, jnp.zeros((2 * D,), jnp.float32)]
    ).reshape(1, 3 * D)
    bv = in_proj_b[2 * D:]
    b_eff = (out_proj_b + bv @ out_proj_w.T).reshape(1, D)

    x2 = x.reshape(N, D)
    qkv = _run_qkv(x2, w_qkv, b_qkv)
    o = _run_attention(qkv.reshape(B, S, 3 * D))

    o2 = o.reshape(N, D)
    h, gate, o1, o2m, w0, w1 = _run_mid(
        o2, x2, out_proj_w.T.astype(jnp.bfloat16), b_eff,
        ln1_g.reshape(1, D), ln1_b.reshape(1, D),
        gate_w, gate_b.reshape(1, E))

    o_t = jnp.concatenate([o1, o2m], axis=0).T
    slots3, counts_f = _run_route(o_t)
    slots = slots3.reshape(NA)
    slots0, slots1 = slots[:N], slots[N:]
    counts = counts_f.reshape(E).astype(jnp.int32)

    h_disp = _run_sc_dispatch(h, slots0, slots1)
    y_disp = _run_gmm(counts, h_disp, expert_w.astype(jnp.bfloat16),
                      expert_b.reshape(E, 1, D))
    yb0, yb1 = _run_sc_combine(y_disp, slots0, slots1)

    out = _run_final(h, yb0, yb1, w0, w1,
                     ln2_g.reshape(1, D), ln2_b.reshape(1, D))
    return out.reshape(B, S, D), gate.reshape(B, S, E)

# --- scband reference (transcript-rebuilt; emitter-appended) ---
"""Pipeline reference for scband-transformer-block-with-mo-e-41592463294487 (READ-ONLY COPY).

The authoritative reference and input builder live on the scoring server;
editing this copy changes nothing except your own understanding.
"""

import jax, jax.numpy as jnp
import numpy as np

B, S, D, H, E, K = 2, 2048, 1024, 16, 8, 2


def _layernorm(x, g, b, eps=1e-5):
    m = jnp.mean(x, axis=-1, keepdims=True)
    v = jnp.var(x, axis=-1, keepdims=True)
    return (x - m) / jnp.sqrt(v + eps) * g + b


def setup_inputs(seed: int = 0):
    key = jax.random.key(seed)
    ks = jax.random.split(key, 8)
    s = 0.02
    return {
        "x": jax.random.normal(ks[0], (B, S, D), dtype=jnp.float32),
        "in_proj_w": (jax.random.normal(ks[1], (3 * D, D)) * s).astype(jnp.float32),
        "in_proj_b": jnp.zeros((3 * D,), jnp.float32),
        "out_proj_w": (jax.random.normal(ks[2], (D, D)) * s).astype(jnp.float32),
        "out_proj_b": jnp.zeros((D,), jnp.float32),
        "ln1_g": jnp.ones((D,), jnp.float32),
        "ln1_b": jnp.zeros((D,), jnp.float32),
        "ln2_g": jnp.ones((D,), jnp.float32),
        "ln2_b": jnp.zeros((D,), jnp.float32),
        "gate_w": (jax.random.normal(ks[3], (D, E)) * s).astype(jnp.float32),
        "gate_b": jnp.zeros((E,), jnp.float32),
        "expert_w": (jax.random.normal(ks[4], (E, D, D)) * s).astype(jnp.float32),
        "expert_b": jnp.zeros((E, D), jnp.float32),
    }


def reference(x, in_proj_w, in_proj_b, out_proj_w, out_proj_b, ln1_g, ln1_b,
              ln2_g, ln2_b, gate_w, gate_b, expert_w, expert_b):
    dh = D // H
    # Multihead self-attention (torch nn.MultiheadAttention, batch_first, eval mode)
    qkv = x @ in_proj_w.T + in_proj_b
    q, k, v = jnp.split(qkv, 3, axis=-1)
    def heads(t):
        return t.reshape(B, S, H, dh).transpose(0, 2, 1, 3)
    q, k, v = heads(q), heads(k), heads(v)
    scores = (q @ k.transpose(0, 1, 3, 2)) / np.sqrt(dh).astype(np.float32)
    attn = jax.nn.softmax(scores, axis=-1)
    o = (attn @ v).transpose(0, 2, 1, 3).reshape(B, S, D)
    attn_out = o @ out_proj_w.T + out_proj_b
    # residual + norm1 (dropout is identity in eval)
    h = _layernorm(x + attn_out, ln1_g, ln1_b)
    # MoE layer: softmax gate over E experts, top-k dispatch, renormalized combine
    logits = h @ gate_w + gate_b
    gate = jax.nn.softmax(logits, axis=-1)
    topv, topi = jax.lax.top_k(gate, K)
    w = topv / jnp.sum(topv, axis=-1, keepdims=True)
    y_all = jnp.einsum('bsd,edf->bsef', h, expert_w) + expert_b
    y_sel = jnp.take_along_axis(y_all, topi[..., None], axis=2)
    moe_out = jnp.sum(w[..., None] * y_sel, axis=2)
    # residual + norm2
    out = _layernorm(h + moe_out, ln2_g, ln2_b)
    return out, gate

if __name__ == "__main__":
    import jax
    _d = setup_inputs()
    print(jax.jit(kernel)(*tuple(_d.values())))

</pallas_src>

<mosaic_0001>
#map = affine_map<(d0, d1) -> (0, 0)>
#map1 = affine_map<(d0, d1) -> (0)>
module attributes {stable_mosaic.version = 14 : i64} {
  func.func @_sc_dispatch_kernel(%arg0: i32, %arg1: i32, %arg2: memref<4096x1024xf32, #tpu.memory_space<hbm>>, %arg3: memref<4096xi32, #tpu.memory_space<hbm>>, %arg4: memref<4096xi32, #tpu.memory_space<hbm>>, %arg5: memref<32768x1024xf32, #tpu.memory_space<hbm>>, %arg6: memref<64xi32, #tpu.memory_space<vmem>>, %arg7: memref<64xi32, #tpu.memory_space<vmem>>, %arg8: memref<64x1024xf32, #tpu.memory_space<vmem>>, %arg9: memref<!tpu.dma_semaphore, #tpu.memory_space<semaphore_mem>>) attributes {dimension_semantics = [#tpu.dimension_semantics<core_parallel>, #tpu.dimension_semantics<subcore_parallel>], iteration_bounds = array<i64: 2, 16>, scalar_prefetch = 0 : i64, scratch_operands = 4 : i64, tpu.core_type = #tpu.core_type<sc_vector_subcore>, window_params = [{transform_indices = #map}, {transform_indices = #map1}, {transform_indices = #map1}, {transform_indices = #map}]} {
    %mul3A = arith.constant 2 : i32
    %mul3A_0 = arith.muli %arg1, %mul3A : i32
    %add3A = arith.addi %mul3A_0, %arg0 : i32
    %mul3A_1 = arith.constant 128 : i32
    %mul3A_2 = arith.muli %add3A, %mul3A_1 : i32
    %add3A_3 = arith.constant 0 : i32
    %add3A_4 = arith.addi %mul3A_2, %add3A_3 : i32
    "tpu.region"() ({
      %run_scoped3A = tpu.sem_alloc : memref<!tpu.dma_semaphore, #tpu.memory_space<semaphore_mem>>
      %dma_start3A_29 = arith.constant 0 : i32
      %dma_start3A_30 = tpu.memref_slice %arg2[%add3A_4, %dma_start3A_29] : memref<4096x1024xf32, #tpu.memory_space<hbm>> -> memref<64x1024xf32, #tpu.memory_space<hbm>>
      %dma_start3A_31 = arith.constant 0 : i32
      %dma_start3A_32 = tpu.memref_slice %arg2[%add3A_4, %dma_start3A_31] : memref<4096x1024xf32, #tpu.memory_space<hbm>> -> memref<64x1024xf32, #tpu.memory_space<hbm>>
      tpu.enqueue_dma source(%dma_start3A_32 : memref<64x1024xf32, #tpu.memory_space<hbm>>) target(%arg8 : memref<64x1024xf32, #tpu.memory_space<vmem>>) target_semaphore(%run_scoped3A : memref<!tpu.dma_semaphore, #tpu.memory_space<semaphore_mem>>)
      %dma_wait3A_33 = arith.constant 0 : i32
      %dma_wait3A_34 = tpu.memref_slice %arg2[%add3A_4, %dma_wait3A_33] : memref<4096x1024xf32, #tpu.memory_space<hbm>> -> memref<64x1024xf32, #tpu.memory_space<hbm>>
      %dma_wait3A_35 = arith.constant 0 : i32
      %dma_wait3A_36 = tpu.memref_slice %arg2[%add3A_4, %dma_wait3A_35] : memref<4096x1024xf32, #tpu.memory_space<hbm>> -> memref<64x1024xf32, #tpu.memory_space<hbm>>
      tpu.wait_dma2 semaphore(%run_scoped3A : memref<!tpu.dma_semaphore, #tpu.memory_space<semaphore_mem>>) src(%dma_wait3A_36 : memref<64x1024xf32, #tpu.memory_space<hbm>>) dst(%arg8 : memref<64x1024xf32, #tpu.memory_space<vmem>>)
      tpu.yield
    }) : () -> ()
    "tpu.region"() ({
      %run_scoped3A = tpu.sem_alloc : memref<!tpu.dma_semaphore, #tpu.memory_space<semaphore_mem>>
      %dma_start3A_29 = tpu.memref_slice %arg3[%add3A_4] : memref<4096xi32, #tpu.memory_space<hbm>> -> memref<64xi32, #tpu.memory_space<hbm>>
      %dma_start3A_30 = tpu.memref_slice %arg3[%add3A_4] : memref<4096xi32, #tpu.memory_space<hbm>> -> memref<64xi32, #tpu.memory_space<hbm>>
      tpu.enqueue_dma source(%dma_start3A_30 : memref<64xi32, #tpu.memory_space<hbm>>) target(%arg6 : memref<64xi32, #tpu.memory_space<vmem>>) target_semaphore(%run_scoped3A : memref<!tpu.dma_semaphore, #tpu.memory_space<semaphore_mem>>)
      %dma_wait3A_31 = tpu.memref_slice %arg3[%add3A_4] : memref<4096xi32, #tpu.memory_space<hbm>> -> memref<64xi32, #tpu.memory_space<hbm>>
      %dma_wait3A_32 = tpu.memref_slice %arg3[%add3A_4] : memref<4096xi32, #tpu.memory_space<hbm>> -> memref<64xi32, #tpu.memory_space<hbm>>
      tpu.wait_dma2 semaphore(%run_scoped3A : memref<!tpu.dma_semaphore, #tpu.memory_space<semaphore_mem>>) src(%dma_wait3A_32 : memref<64xi32, #tpu.memory_space<hbm>>) dst(%arg6 : memref<64xi32, #tpu.memory_space<vmem>>)
      tpu.yield
    }) : () -> ()
    "tpu.region"() ({
      %run_scoped3A = tpu.sem_alloc : memref<!tpu.dma_semaphore, #tpu.memory_space<semaphore_mem>>
      %dma_start3A_29 = tpu.memref_slice %arg4[%add3A_4] : memref<4096xi32, #tpu.memory_space<hbm>> -> memref<64xi32, #tpu.memory_space<hbm>>
      %dma_start3A_30 = tpu.memref_slice %arg4[%add3A_4] : memref<4096xi32, #tpu.memory_space<hbm>> -> memref<64xi32, #tpu.memory_space<hbm>>
      tpu.enqueue_dma source(%dma_start3A_30 : memref<64xi32, #tpu.memory_space<hbm>>) target(%arg7 : memref<64xi32, #tpu.memory_space<vmem>>) target_semaphore(%run_scoped3A : memref<!tpu.dma_semaphore, #tpu.memory_space<semaphore_mem>>)
      %dma_wait3A_31 = tpu.memref_slice %arg4[%add3A_4] : memref<4096xi32, #tpu.memory_space<hbm>> -> memref<64xi32, #tpu.memory_space<hbm>>
      %dma_wait3A_32 = tpu.memref_slice %arg4[%add3A_4] : memref<4096xi32, #tpu.memory_space<hbm>> -> memref<64xi32, #tpu.memory_space<hbm>>
      tpu.wait_dma2 semaphore(%run_scoped3A : memref<!tpu.dma_semaphore, #tpu.memory_space<semaphore_mem>>) src(%dma_wait3A_32 : memref<64xi32, #tpu.memory_space<hbm>>) dst(%arg7 : memref<64xi32, #tpu.memory_space<vmem>>)
      tpu.yield
    }) : () -> ()
    %dma_start3A = arith.constant 0 : i32
    %dma_start3A_5 = arith.constant 0 : i32
    %dma_start3A_6 = tpu.memref_slice %arg5[%dma_start3A, %dma_start3A_5] : memref<32768x1024xf32, #tpu.memory_space<hbm>> -> memref<32768x1024xf32, #tpu.memory_space<hbm>>
    tpu.enqueue_indirect_dma source(%arg8 : memref<64x1024xf32, #tpu.memory_space<vmem>>) target(%dma_start3A_6 : memref<32768x1024xf32, #tpu.memory_space<hbm>>) offsets(%arg6 : memref<64xi32, #tpu.memory_space<vmem>>) semaphore(%arg9 : memref<!tpu.dma_semaphore, #tpu.memory_space<semaphore_mem>>)
    %dma_start3A_7 = arith.constant 0 : i32
    %dma_start3A_8 = arith.constant 0 : i32
    %dma_start3A_9 = tpu.memref_slice %arg5[%dma_start3A_7, %dma_start3A_8] : memref<32768x1024xf32, #tpu.memory_space<hbm>> -> memref<32768x1024xf32, #tpu.memory_space<hbm>>
    tpu.enqueue_indirect_dma source(%arg8 : memref<64x1024xf32, #tpu.memory_space<vmem>>) target(%dma_start3A_9 : memref<32768x1024xf32, #tpu.memory_space<hbm>>) offsets(%arg7 : memref<64xi32, #tpu.memory_space<vmem>>) semaphore(%arg9 : memref<!tpu.dma_semaphore, #tpu.memory_space<semaphore_mem>>)
    %dma_wait3A = arith.constant 0 : i32
    %dma_wait3A_10 = arith.constant 0 : i32
    %dma_wait3A_11 = tpu.memref_slice %arg5[%dma_wait3A, %dma_wait3A_10] : memref<32768x1024xf32, #tpu.memory_space<hbm>> -> memref<32768x1024xf32, #tpu.memory_space<hbm>>
    tpu.wait_indirect_dma semaphore(%arg9 : memref<!tpu.dma_semaphore, #tpu.memory_space<semaphore_mem>>) src(%arg8 : memref<64x1024xf32, #tpu.memory_space<vmem>>) dst(%dma_wait3A_11 : memref<32768x1024xf32, #tpu.memory_space<hbm>>)
    %dma_wait3A_12 = arith.constant 0 : i32
    %dma_wait3A_13 = arith.constant 0 : i32
    %dma_wait3A_14 = tpu.memref_slice %arg5[%dma_wait3A_12, %dma_wait3A_13] : memref<32768x1024xf32, #tpu.memory_space<hbm>> -> memref<32768x1024xf32, #tpu.memory_space<hbm>>
    tpu.wait_indirect_dma semaphore(%arg9 : memref<!tpu.dma_semaphore, #tpu.memory_space<semaphore_mem>>) src(%arg8 : memref<64x1024xf32, #tpu.memory_space<vmem>>) dst(%dma_wait3A_14 : memref<32768x1024xf32, #tpu.memory_space<hbm>>)
    %add3A_15 = arith.constant 64 : i32
    %add3A_16 = arith.addi %mul3A_2, %add3A_15 : i32
    "tpu.region"() ({
      %run_scoped3A = tpu.sem_alloc : memref<!tpu.dma_semaphore, #tpu.memory_space<semaphore_mem>>
      %dma_start3A_29 = arith.constant 0 : i32
      %dma_start3A_30 = tpu.memref_slice %arg2[%add3A_16, %dma_start3A_29] : memref<4096x1024xf32, #tpu.memory_space<hbm>> -> memref<64x1024xf32, #tpu.memory_space<hbm>>
      %dma_start3A_31 = arith.constant 0 : i32
      %dma_start3A_32 = tpu.memref_slice %arg2[%add3A_16, %dma_start3A_31] : memref<4096x1024xf32, #tpu.memory_space<hbm>> -> memref<64x1024xf32, #tpu.memory_space<hbm>>
      tpu.enqueue_dma source(%dma_start3A_32 : memref<64x1024xf32, #tpu.memory_space<hbm>>) target(%arg8 : memref<64x1024xf32, #tpu.memory_space<vmem>>) target_semaphore(%run_scoped3A : memref<!tpu.dma_semaphore, #tpu.memory_space<semaphore_mem>>)
      %dma_wait3A_33 = arith.constant 0 : i32
      %dma_wait3A_34 = tpu.memref_slice %arg2[%add3A_16, %dma_wait3A_33] : memref<4096x1024xf32, #tpu.memory_space<hbm>> -> memref<64x1024xf32, #tpu.memory_space<hbm>>
      %dma_wait3A_35 = arith.constant 0 : i32
      %dma_wait3A_36 = tpu.memref_slice %arg2[%add3A_16, %dma_wait3A_35] : memref<4096x1024xf32, #tpu.memory_space<hbm>> -> memref<64x1024xf32, #tpu.memory_space<hbm>>
      tpu.wait_dma2 semaphore(%run_scoped3A : memref<!tpu.dma_semaphore, #tpu.memory_space<semaphore_mem>>) src(%dma_wait3A_36 : memref<64x1024xf32, #tpu.memory_space<hbm>>) dst(%arg8 : memref<64x1024xf32, #tpu.memory_space<vmem>>)
      tpu.yield
    }) : () -> ()
    "tpu.region"() ({
      %run_scoped3A = tpu.sem_alloc : memref<!tpu.dma_semaphore, #tpu.memory_space<semaphore_mem>>
      %dma_start3A_29 = tpu.memref_slice %arg3[%add3A_16] : memref<4096xi32, #tpu.memory_space<hbm>> -> memref<64xi32, #tpu.memory_space<hbm>>
      %dma_start3A_30 = tpu.memref_slice %arg3[%add3A_16] : memref<4096xi32, #tpu.memory_space<hbm>> -> memref<64xi32, #tpu.memory_space<hbm>>
      tpu.enqueue_dma source(%dma_start3A_30 : memref<64xi32, #tpu.memory_space<hbm>>) target(%arg6 : memref<64xi32, #tpu.memory_space<vmem>>) target_semaphore(%run_scoped3A : memref<!tpu.dma_semaphore, #tpu.memory_space<semaphore_mem>>)
      %dma_wait3A_31 = tpu.memref_slice %arg3[%add3A_16] : memref<4096xi32, #tpu.memory_space<hbm>> -> memref<64xi32, #tpu.memory_space<hbm>>
      %dma_wait3A_32 = tpu.memref_slice %arg3[%add3A_16] : memref<4096xi32, #tpu.memory_space<hbm>> -> memref<64xi32, #tpu.memory_space<hbm>>
      tpu.wait_dma2 semaphore(%run_scoped3A : memref<!tpu.dma_semaphore, #tpu.memory_space<semaphore_mem>>) src(%dma_wait3A_32 : memref<64xi32, #tpu.memory_space<hbm>>) dst(%arg6 : memref<64xi32, #tpu.memory_space<vmem>>)
      tpu.yield
    }) : () -> ()
    "tpu.region"() ({
      %run_scoped3A = tpu.sem_alloc : memref<!tpu.dma_semaphore, #tpu.memory_space<semaphore_mem>>
      %dma_start3A_29 = tpu.memref_slice %arg4[%add3A_16] : memref<4096xi32, #tpu.memory_space<hbm>> -> memref<64xi32, #tpu.memory_space<hbm>>
      %dma_start3A_30 = tpu.memref_slice %arg4[%add3A_16] : memref<4096xi32, #tpu.memory_space<hbm>> -> memref<64xi32, #tpu.memory_space<hbm>>
      tpu.enqueue_dma source(%dma_start3A_30 : memref<64xi32, #tpu.memory_space<hbm>>) target(%arg7 : memref<64xi32, #tpu.memory_space<vmem>>) target_semaphore(%run_scoped3A : memref<!tpu.dma_semaphore, #tpu.memory_space<semaphore_mem>>)
      %dma_wait3A_31 = tpu.memref_slice %arg4[%add3A_16] : memref<4096xi32, #tpu.memory_space<hbm>> -> memref<64xi32, #tpu.memory_space<hbm>>
      %dma_wait3A_32 = tpu.memref_slice %arg4[%add3A_16] : memref<4096xi32, #tpu.memory_space<hbm>> -> memref<64xi32, #tpu.memory_space<hbm>>
      tpu.wait_dma2 semaphore(%run_scoped3A : memref<!tpu.dma_semaphore, #tpu.memory_space<semaphore_mem>>) src(%dma_wait3A_32 : memref<64xi32, #tpu.memory_space<hbm>>) dst(%arg7 : memref<64xi32, #tpu.memory_space<vmem>>)
      tpu.yield
    }) : () -> ()
    %dma_start3A_17 = arith.constant 0 : i32
    %dma_start3A_18 = arith.constant 0 : i32
    %dma_start3A_19 = tpu.memref_slice %arg5[%dma_start3A_17, %dma_start3A_18] : memref<32768x1024xf32, #tpu.memory_space<hbm>> -> memref<32768x1024xf32, #tpu.memory_space<hbm>>
    tpu.enqueue_indirect_dma source(%arg8 : memref<64x1024xf32, #tpu.memory_space<vmem>>) target(%dma_start3A_19 : memref<32768x1024xf32, #tpu.memory_space<hbm>>) offsets(%arg6 : memref<64xi32, #tpu.memory_space<vmem>>) semaphore(%arg9 : memref<!tpu.dma_semaphore, #tpu.memory_space<semaphore_mem>>)
    %dma_start3A_20 = arith.constant 0 : i32
    %dma_start3A_21 = arith.constant 0 : i32
    %dma_start3A_22 = tpu.memref_slice %arg5[%dma_start3A_20, %dma_start3A_21] : memref<32768x1024xf32, #tpu.memory_space<hbm>> -> memref<32768x1024xf32, #tpu.memory_space<hbm>>
    tpu.enqueue_indirect_dma source(%arg8 : memref<64x1024xf32, #tpu.memory_space<vmem>>) target(%dma_start3A_22 : memref<32768x1024xf32, #tpu.memory_space<hbm>>) offsets(%arg7 : memref<64xi32, #tpu.memory_space<vmem>>) semaphore(%arg9 : memref<!tpu.dma_semaphore, #tpu.memory_space<semaphore_mem>>)
    %dma_wait3A_23 = arith.constant 0 : i32
    %dma_wait3A_24 = arith.constant 0 : i32
    %dma_wait3A_25 = tpu.memref_slice %arg5[%dma_wait3A_23, %dma_wait3A_24] : memref<32768x1024xf32, #tpu.memory_space<hbm>> -> memref<32768x1024xf32, #tpu.memory_space<hbm>>
    tpu.wait_indirect_dma semaphore(%arg9 : memref<!tpu.dma_semaphore, #tpu.memory_space<semaphore_mem>>) src(%arg8 : memref<64x1024xf32, #tpu.memory_space<vmem>>) dst(%dma_wait3A_25 : memref<32768x1024xf32, #tpu.memory_space<hbm>>)
    %dma_wait3A_26 = arith.constant 0 : i32
    %dma_wait3A_27 = arith.constant 0 : i32
    %dma_wait3A_28 = tpu.memref_slice %arg5[%dma_wait3A_26, %dma_wait3A_27] : memref<32768x1024xf32, #tpu.memory_space<hbm>> -> memref<32768x1024xf32, #tpu.memory_space<hbm>>
    tpu.wait_indirect_dma semaphore(%arg9 : memref<!tpu.dma_semaphore, #tpu.memory_space<semaphore_mem>>) src(%arg8 : memref<64x1024xf32, #tpu.memory_space<vmem>>) dst(%dma_wait3A_28 : memref<32768x1024xf32, #tpu.memory_space<hbm>>)
    return
  }
}

#map = affine_map<(d0, d1) -> (0, 0)>
#map1 = affine_map<(d0, d1) -> (0)>
module attributes {stable_mosaic.version = 14 : i64} {
  func.func @_sc_combine_kernel(%arg0: i32, %arg1: i32, %arg2: memref<33024x1024xf32, #tpu.memory_space<hbm>>, %arg3: memref<4096xi32, #tpu.memory_space<hbm>>, %arg4: memref<4096xi32, #tpu.memory_space<hbm>>, %arg5: memref<4096x1024xf32, #tpu.memory_space<hbm>>, %arg6: memref<4096x1024xf32, #tpu.memory_space<hbm>>, %arg7: memref<64xi32, #tpu.memory_space<vmem>>, %arg8: memref<64x1024xf32, #tpu.memory_space<vmem>>, %arg9: memref<!tpu.dma_semaphore, #tpu.memory_space<semaphore_mem>>) attributes {dimension_semantics = [#tpu.dimension_semantics<core_parallel>, #tpu.dimension_semantics<subcore_parallel>], iteration_bounds = array<i64: 2, 16>, scalar_prefetch = 0 : i64, scratch_operands = 3 : i64, tpu.core_type = #tpu.core_type<sc_vector_subcore>, window_params = [{transform_indices = #map}, {transform_indices = #map1}, {transform_indices = #map1}, {transform_indices = #map}, {transform_indices = #map}]} {
    %mul3A = arith.constant 2 : i32
    %mul3A_0 = arith.muli %arg1, %mul3A : i32
    %add3A = arith.addi %mul3A_0, %arg0 : i32
    %mul3A_1 = arith.constant 128 : i32
    %mul3A_2 = arith.muli %add3A, %mul3A_1 : i32
    %add3A_3 = arith.constant 0 : i32
    %add3A_4 = arith.addi %mul3A_2, %add3A_3 : i32
    "tpu.region"() ({
      %run_scoped3A = tpu.sem_alloc : memref<!tpu.dma_semaphore, #tpu.memory_space<semaphore_mem>>
      %dma_start3A_29 = tpu.memref_slice %arg3[%add3A_4] : memref<4096xi32, #tpu.memory_space<hbm>> -> memref<64xi32, #tpu.memory_space<hbm>>
      %dma_start3A_30 = tpu.memref_slice %arg3[%add3A_4] : memref<4096xi32, #tpu.memory_space<hbm>> -> memref<64xi32, #tpu.memory_space<hbm>>
      tpu.enqueue_dma source(%dma_start3A_30 : memref<64xi32, #tpu.memory_space<hbm>>) target(%arg7 : memref<64xi32, #tpu.memory_space<vmem>>) target_semaphore(%run_scoped3A : memref<!tpu.dma_semaphore, #tpu.memory_space<semaphore_mem>>)
      %dma_wait3A_31 = tpu.memref_slice %arg3[%add3A_4] : memref<4096xi32, #tpu.memory_space<hbm>> -> memref<64xi32, #tpu.memory_space<hbm>>
      %dma_wait3A_32 = tpu.memref_slice %arg3[%add3A_4] : memref<4096xi32, #tpu.memory_space<hbm>> -> memref<64xi32, #tpu.memory_space<hbm>>
      tpu.wait_dma2 semaphore(%run_scoped3A : memref<!tpu.dma_semaphore, #tpu.memory_space<semaphore_mem>>) src(%dma_wait3A_32 : memref<64xi32, #tpu.memory_space<hbm>>) dst(%arg7 : memref<64xi32, #tpu.memory_space<vmem>>)
      tpu.yield
    }) : () -> ()
    %dma_start3A = arith.constant 0 : i32
    %dma_start3A_5 = arith.constant 0 : i32
    %dma_start3A_6 = tpu.memref_slice %arg2[%dma_start3A, %dma_start3A_5] : memref<33024x1024xf32, #tpu.memory_space<hbm>> -> memref<33024x1024xf32, #tpu.memory_space<hbm>>
    tpu.enqueue_indirect_dma source(%dma_start3A_6 : memref<33024x1024xf32, #tpu.memory_space<hbm>>) target(%arg8 : memref<64x1024xf32, #tpu.memory_space<vmem>>) offsets(%arg7 : memref<64xi32, #tpu.memory_space<vmem>>) semaphore(%arg9 : memref<!tpu.dma_semaphore, #tpu.memory_space<semaphore_mem>>)
    %dma_wait3A = arith.constant 0 : i32
    %dma_wait3A_7 = arith.constant 0 : i32
    %dma_wait3A_8 = tpu.memref_slice %arg2[%dma_wait3A, %dma_wait3A_7] : memref<33024x1024xf32, #tpu.memory_space<hbm>> -> memref<33024x1024xf32, #tpu.memory_space<hbm>>
    tpu.wait_indirect_dma semaphore(%arg9 : memref<!tpu.dma_semaphore, #tpu.memory_space<semaphore_mem>>) src(%dma_wait3A_8 : memref<33024x1024xf32, #tpu.memory_space<hbm>>) dst(%arg8 : memref<64x1024xf32, #tpu.memory_space<vmem>>)
    "tpu.region"() ({
      %run_scoped3A = tpu.sem_alloc : memref<!tpu.dma_semaphore, #tpu.memory_space<semaphore_mem>>
      %dma_start3A_29 = arith.constant 0 : i32
      %dma_start3A_30 = tpu.memref_slice %arg5[%add3A_4, %dma_start3A_29] : memref<4096x1024xf32, #tpu.memory_space<hbm>> -> memref<64x1024xf32, #tpu.memory_space<hbm>>
      %dma_start3A_31 = arith.constant 0 : i32
      %dma_start3A_32 = tpu.memref_slice %arg5[%add3A_4, %dma_start3A_31] : memref<4096x1024xf32, #tpu.memory_space<hbm>> -> memref<64x1024xf32, #tpu.memory_space<hbm>>
      tpu.enqueue_dma source(%arg8 : memref<64x1024xf32, #tpu.memory_space<vmem>>) target(%dma_start3A_32 : memref<64x1024xf32, #tpu.memory_space<hbm>>) target_semaphore(%run_scoped3A : memref<!tpu.dma_semaphore, #tpu.memory_space<semaphore_mem>>)
      %dma_wait3A_33 = arith.constant 0 : i32
      %dma_wait3A_34 = tpu.memref_slice %arg5[%add3A_4, %dma_wait3A_33] : memref<4096x1024xf32, #tpu.memory_space<hbm>> -> memref<64x1024xf32, #tpu.memory_space<hbm>>
      %dma_wait3A_35 = arith.constant 0 : i32
      %dma_wait3A_36 = tpu.memref_slice %arg5[%add3A_4, %dma_wait3A_35] : memref<4096x1024xf32, #tpu.memory_space<hbm>> -> memref<64x1024xf32, #tpu.memory_space<hbm>>
      tpu.wait_dma2 semaphore(%run_scoped3A : memref<!tpu.dma_semaphore, #tpu.memory_space<semaphore_mem>>) src(%arg8 : memref<64x1024xf32, #tpu.memory_space<vmem>>) dst(%dma_wait3A_36 : memref<64x1024xf32, #tpu.memory_space<hbm>>)
      tpu.yield
    }) : () -> ()
    "tpu.region"() ({
      %run_scoped3A = tpu.sem_alloc : memref<!tpu.dma_semaphore, #tpu.memory_space<semaphore_mem>>
      %dma_start3A_29 = tpu.memref_slice %arg4[%add3A_4] : memref<4096xi32, #tpu.memory_space<hbm>> -> memref<64xi32, #tpu.memory_space<hbm>>
      %dma_start3A_30 = tpu.memref_slice %arg4[%add3A_4] : memref<4096xi32, #tpu.memory_space<hbm>> -> memref<64xi32, #tpu.memory_space<hbm>>
      tpu.enqueue_dma source(%dma_start3A_30 : memref<64xi32, #tpu.memory_space<hbm>>) target(%arg7 : memref<64xi32, #tpu.memory_space<vmem>>) target_semaphore(%run_scoped3A : memref<!tpu.dma_semaphore, #tpu.memory_space<semaphore_mem>>)
      %dma_wait3A_31 = tpu.memref_slice %arg4[%add3A_4] : memref<4096xi32, #tpu.memory_space<hbm>> -> memref<64xi32, #tpu.memory_space<hbm>>
      %dma_wait3A_32 = tpu.memref_slice %arg4[%add3A_4] : memref<4096xi32, #tpu.memory_space<hbm>> -> memref<64xi32, #tpu.memory_space<hbm>>
      tpu.wait_dma2 semaphore(%run_scoped3A : memref<!tpu.dma_semaphore, #tpu.memory_space<semaphore_mem>>) src(%dma_wait3A_32 : memref<64xi32, #tpu.memory_space<hbm>>) dst(%arg7 : memref<64xi32, #tpu.memory_space<vmem>>)
      tpu.yield
    }) : () -> ()
    %dma_start3A_9 = arith.constant 0 : i32
    %dma_start3A_10 = arith.constant 0 : i32
    %dma_start3A_11 = tpu.memref_slice %arg2[%dma_start3A_9, %dma_start3A_10] : memref<33024x1024xf32, #tpu.memory_space<hbm>> -> memref<33024x1024xf32, #tpu.memory_space<hbm>>
    tpu.enqueue_indirect_dma source(%dma_start3A_11 : memref<33024x1024xf32, #tpu.memory_space<hbm>>) target(%arg8 : memref<64x1024xf32, #tpu.memory_space<vmem>>) offsets(%arg7 : memref<64xi32, #tpu.memory_space<vmem>>) semaphore(%arg9 : memref<!tpu.dma_semaphore, #tpu.memory_space<semaphore_mem>>)
    %dma_wait3A_12 = arith.constant 0 : i32
    %dma_wait3A_13 = arith.constant 0 : i32
    %dma_wait3A_14 = tpu.memref_slice %arg2[%dma_wait3A_12, %dma_wait3A_13] : memref<33024x1024xf32, #tpu.memory_space<hbm>> -> memref<33024x1024xf32, #tpu.memory_space<hbm>>
    tpu.wait_indirect_dma semaphore(%arg9 : memref<!tpu.dma_semaphore, #tpu.memory_space<semaphore_mem>>) src(%dma_wait3A_14 : memref<33024x1024xf32, #tpu.memory_space<hbm>>) dst(%arg8 : memref<64x1024xf32, #tpu.memory_space<vmem>>)
    "tpu.region"() ({
      %run_scoped3A = tpu.sem_alloc : memref<!tpu.dma_semaphore, #tpu.memory_space<semaphore_mem>>
      %dma_start3A_29 = arith.constant 0 : i32
      %dma_start3A_30 = tpu.memref_slice %arg6[%add3A_4, %dma_start3A_29] : memref<4096x1024xf32, #tpu.memory_space<hbm>> -> memref<64x1024xf32, #tpu.memory_space<hbm>>
      %dma_start3A_31 = arith.constant 0 : i32
      %dma_start3A_32 = tpu.memref_slice %arg6[%add3A_4, %dma_start3A_31] : memref<4096x1024xf32, #tpu.memory_space<hbm>> -> memref<64x1024xf32, #tpu.memory_space<hbm>>
      tpu.enqueue_dma source(%arg8 : memref<64x1024xf32, #tpu.memory_space<vmem>>) target(%dma_start3A_32 : memref<64x1024xf32, #tpu.memory_space<hbm>>) target_semaphore(%run_scoped3A : memref<!tpu.dma_semaphore, #tpu.memory_space<semaphore_mem>>)
      %dma_wait3A_33 = arith.constant 0 : i32
      %dma_wait3A_34 = tpu.memref_slice %arg6[%add3A_4, %dma_wait3A_33] : memref<4096x1024xf32, #tpu.memory_space<hbm>> -> memref<64x1024xf32, #tpu.memory_space<hbm>>
      %dma_wait3A_35 = arith.constant 0 : i32
      %dma_wait3A_36 = tpu.memref_slice %arg6[%add3A_4, %dma_wait3A_35] : memref<4096x1024xf32, #tpu.memory_space<hbm>> -> memref<64x1024xf32, #tpu.memory_space<hbm>>
      tpu.wait_dma2 semaphore(%run_scoped3A : memref<!tpu.dma_semaphore, #tpu.memory_space<semaphore_mem>>) src(%arg8 : memref<64x1024xf32, #tpu.memory_space<vmem>>) dst(%dma_wait3A_36 : memref<64x1024xf32, #tpu.memory_space<hbm>>)
      tpu.yield
    }) : () -> ()
    %add3A_15 = arith.constant 64 : i32
    %add3A_16 = arith.addi %mul3A_2, %add3A_15 : i32
    "tpu.region"() ({
      %run_scoped3A = tpu.sem_alloc : memref<!tpu.dma_semaphore, #tpu.memory_space<semaphore_mem>>
      %dma_start3A_29 = tpu.memref_slice %arg3[%add3A_16] : memref<4096xi32, #tpu.memory_space<hbm>> -> memref<64xi32, #tpu.memory_space<hbm>>
      %dma_start3A_30 = tpu.memref_slice %arg3[%add3A_16] : memref<4096xi32, #tpu.memory_space<hbm>> -> memref<64xi32, #tpu.memory_space<hbm>>
      tpu.enqueue_dma source(%dma_start3A_30 : memref<64xi32, #tpu.memory_space<hbm>>) target(%arg7 : memref<64xi32, #tpu.memory_space<vmem>>) target_semaphore(%run_scoped3A : memref<!tpu.dma_semaphore, #tpu.memory_space<semaphore_mem>>)
      %dma_wait3A_31 = tpu.memref_slice %arg3[%add3A_16] : memref<4096xi32, #tpu.memory_space<hbm>> -> memref<64xi32, #tpu.memory_space<hbm>>
      %dma_wait3A_32 = tpu.memref_slice %arg3[%add3A_16] : memref<4096xi32, #tpu.memory_space<hbm>> -> memref<64xi32, #tpu.memory_space<hbm>>
      tpu.wait_dma2 semaphore(%run_scoped3A : memref<!tpu.dma_semaphore, #tpu.memory_space<semaphore_mem>>) src(%dma_wait3A_32 : memref<64xi32, #tpu.memory_space<hbm>>) dst(%arg7 : memref<64xi32, #tpu.memory_space<vmem>>)
      tpu.yield
    }) : () -> ()
    %dma_start3A_17 = arith.constant 0 : i32
    %dma_start3A_18 = arith.constant 0 : i32
    %dma_start3A_19 = tpu.memref_slice %arg2[%dma_start3A_17, %dma_start3A_18] : memref<33024x1024xf32, #tpu.memory_space<hbm>> -> memref<33024x1024xf32, #tpu.memory_space<hbm>>
    tpu.enqueue_indirect_dma source(%dma_start3A_19 : memref<33024x1024xf32, #tpu.memory_space<hbm>>) target(%arg8 : memref<64x1024xf32, #tpu.memory_space<vmem>>) offsets(%arg7 : memref<64xi32, #tpu.memory_space<vmem>>) semaphore(%arg9 : memref<!tpu.dma_semaphore, #tpu.memory_space<semaphore_mem>>)
    %dma_wait3A_20 = arith.constant 0 : i32
    %dma_wait3A_21 = arith.constant 0 : i32
    %dma_wait3A_22 = tpu.memref_slice %arg2[%dma_wait3A_20, %dma_wait3A_21] : memref<33024x1024xf32, #tpu.memory_space<hbm>> -> memref<33024x1024xf32, #tpu.memory_space<hbm>>
    tpu.wait_indirect_dma semaphore(%arg9 : memref<!tpu.dma_semaphore, #tpu.memory_space<semaphore_mem>>) src(%dma_wait3A_22 : memref<33024x1024xf32, #tpu.memory_space<hbm>>) dst(%arg8 : memref<64x1024xf32, #tpu.memory_space<vmem>>)
    "tpu.region"() ({
      %run_scoped3A = tpu.sem_alloc : memref<!tpu.dma_semaphore, #tpu.memory_space<semaphore_mem>>
      %dma_start3A_29 = arith.constant 0 : i32
      %dma_start3A_30 = tpu.memref_slice %arg5[%add3A_16, %dma_start3A_29] : memref<4096x1024xf32, #tpu.memory_space<hbm>> -> memref<64x1024xf32, #tpu.memory_space<hbm>>
      %dma_start3A_31 = arith.constant 0 : i32
      %dma_start3A_32 = tpu.memref_slice %arg5[%add3A_16, %dma_start3A_31] : memref<4096x1024xf32, #tpu.memory_space<hbm>> -> memref<64x1024xf32, #tpu.memory_space<hbm>>
      tpu.enqueue_dma source(%arg8 : memref<64x1024xf32, #tpu.memory_space<vmem>>) target(%dma_start3A_32 : memref<64x1024xf32, #tpu.memory_space<hbm>>) target_semaphore(%run_scoped3A : memref<!tpu.dma_semaphore, #tpu.memory_space<semaphore_mem>>)
      %dma_wait3A_33 = arith.constant 0 : i32
      %dma_wait3A_34 = tpu.memref_slice %arg5[%add3A_16, %dma_wait3A_33] : memref<4096x1024xf32, #tpu.memory_space<hbm>> -> memref<64x1024xf32, #tpu.memory_space<hbm>>
      %dma_wait3A_35 = arith.constant 0 : i32
      %dma_wait3A_36 = tpu.memref_slice %arg5[%add3A_16, %dma_wait3A_35] : memref<4096x1024xf32, #tpu.memory_space<hbm>> -> memref<64x1024xf32, #tpu.memory_space<hbm>>
      tpu.wait_dma2 semaphore(%run_scoped3A : memref<!tpu.dma_semaphore, #tpu.memory_space<semaphore_mem>>) src(%arg8 : memref<64x1024xf32, #tpu.memory_space<vmem>>) dst(%dma_wait3A_36 : memref<64x1024xf32, #tpu.memory_space<hbm>>)
      tpu.yield
    }) : () -> ()
    "tpu.region"() ({
      %run_scoped3A = tpu.sem_alloc : memref<!tpu.dma_semaphore, #tpu.memory_space<semaphore_mem>>
      %dma_start3A_29 = tpu.memref_slice %arg4[%add3A_16] : memref<4096xi32, #tpu.memory_space<hbm>> -> memref<64xi32, #tpu.memory_space<hbm>>
      %dma_start3A_30 = tpu.memref_slice %arg4[%add3A_16] : memref<4096xi32, #tpu.memory_space<hbm>> -> memref<64xi32, #tpu.memory_space<hbm>>
      tpu.enqueue_dma source(%dma_start3A_30 : memref<64xi32, #tpu.memory_space<hbm>>) target(%arg7 : memref<64xi32, #tpu.memory_space<vmem>>) target_semaphore(%run_scoped3A : memref<!tpu.dma_semaphore, #tpu.memory_space<semaphore_mem>>)
      %dma_wait3A_31 = tpu.memref_slice %arg4[%add3A_16] : memref<4096xi32, #tpu.memory_space<hbm>> -> memref<64xi32, #tpu.memory_space<hbm>>
      %dma_wait3A_32 = tpu.memref_slice %arg4[%add3A_16] : memref<4096xi32, #tpu.memory_space<hbm>> -> memref<64xi32, #tpu.memory_space<hbm>>
      tpu.wait_dma2 semaphore(%run_scoped3A : memref<!tpu.dma_semaphore, #tpu.memory_space<semaphore_mem>>) src(%dma_wait3A_32 : memref<64xi32, #tpu.memory_space<hbm>>) dst(%arg7 : memref<64xi32, #tpu.memory_space<vmem>>)
      tpu.yield
    }) : () -> ()
    %dma_start3A_23 = arith.constant 0 : i32
    %dma_start3A_24 = arith.constant 0 : i32
    %dma_start3A_25 = tpu.memref_slice %arg2[%dma_start3A_23, %dma_start3A_24] : memref<33024x1024xf32, #tpu.memory_space<hbm>> -> memref<33024x1024xf32, #tpu.memory_space<hbm>>
    tpu.enqueue_indirect_dma source(%dma_start3A_25 : memref<33024x1024xf32, #tpu.memory_space<hbm>>) target(%arg8 : memref<64x1024xf32, #tpu.memory_space<vmem>>) offsets(%arg7 : memref<64xi32, #tpu.memory_space<vmem>>) semaphore(%arg9 : memref<!tpu.dma_semaphore, #tpu.memory_space<semaphore_mem>>)
    %dma_wait3A_26 = arith.constant 0 : i32
    %dma_wait3A_27 = arith.constant 0 : i32
    %dma_wait3A_28 = tpu.memref_slice %arg2[%dma_wait3A_26, %dma_wait3A_27] : memref<33024x1024xf32, #tpu.memory_space<hbm>> -> memref<33024x1024xf32, #tpu.memory_space<hbm>>
    tpu.wait_indirect_dma semaphore(%arg9 : memref<!tpu.dma_semaphore, #tpu.memory_space<semaphore_mem>>) src(%dma_wait3A_28 : memref<33024x1024xf32, #tpu.memory_space<hbm>>) dst(%arg8 : memref<64x1024xf32, #tpu.memory_space<vmem>>)
    "tpu.region"() ({
      %run_scoped3A = tpu.sem_alloc : memref<!tpu.dma_semaphore, #tpu.memory_space<semaphore_mem>>
      %dma_start3A_29 = arith.constant 0 : i32
      %dma_start3A_30 = tpu.memref_slice %arg6[%add3A_16, %dma_start3A_29] : memref<4096x1024xf32, #tpu.memory_space<hbm>> -> memref<64x1024xf32, #tpu.memory_space<hbm>>
      %dma_start3A_31 = arith.constant 0 : i32
      %dma_start3A_32 = tpu.memref_slice %arg6[%add3A_16, %dma_start3A_31] : memref<4096x1024xf32, #tpu.memory_space<hbm>> -> memref<64x1024xf32, #tpu.memory_space<hbm>>
      tpu.enqueue_dma source(%arg8 : memref<64x1024xf32, #tpu.memory_space<vmem>>) target(%dma_start3A_32 : memref<64x1024xf32, #tpu.memory_space<hbm>>) target_semaphore(%run_scoped3A : memref<!tpu.dma_semaphore, #tpu.memory_space<semaphore_mem>>)
      %dma_wait3A_33 = arith.constant 0 : i32
      %dma_wait3A_34 = tpu.memref_slice %arg6[%add3A_16, %dma_wait3A_33] : memref<4096x1024xf32, #tpu.memory_space<hbm>> -> memref<64x1024xf32, #tpu.memory_space<hbm>>
      %dma_wait3A_35 = arith.constant 0 : i32
      %dma_wait3A_36 = tpu.memref_slice %arg6[%add3A_16, %dma_wait3A_35] : memref<4096x1024xf32, #tpu.memory_space<hbm>> -> memref<64x1024xf32, #tpu.memory_space<hbm>>
      tpu.wait_dma2 semaphore(%run_scoped3A : memref<!tpu.dma_semaphore, #tpu.memory_space<semaphore_mem>>) src(%arg8 : memref<64x1024xf32, #tpu.memory_space<vmem>>) dst(%dma_wait3A_36 : memref<64x1024xf32, #tpu.memory_space<hbm>>)
      tpu.yield
    }) : () -> ()
    return
  }
}

module attributes {stable_mosaic.version = 14 : i64} {
  func.func @_qkv_kernel(%arg0: i32, %arg1: memref<1024x1024xf32, #tpu.memory_space<vmem>>, %arg2: memref<1024x3072xbf16, #tpu.memory_space<vmem>>, %arg3: memref<1x3072xf32, #tpu.memory_space<vmem>>, %arg4: memref<1024x3072xbf16, #tpu.memory_space<vmem>>) attributes {dimension_semantics = [#tpu.dimension_semantics<arbitrary>], iteration_bounds = array<i64: 4>, scalar_prefetch = 0 : i64, scratch_operands = 0 : i64, tpu.core_type = #tpu.core_type<tc>, window_params = [{transform_indices = @transform_0, window_bounds = array<i64: 1024, 1024>}, {pipeline_mode = #tpu.pipeline_mode<synchronous>, transform_indices = @transform_1, window_bounds = array<i64: 1024, 3072>}, {pipeline_mode = #tpu.pipeline_mode<synchronous>, transform_indices = @transform_2, window_bounds = array<i64: 1, 3072>}, {transform_indices = @transform_3, window_bounds = array<i64: 1024, 3072>}]} {
    %get3A = arith.constant 0 : index
    %get3A_0 = arith.constant 0 : index
    %get3A_1 = vector.load %arg1[%get3A, %get3A_0] : memref<1024x1024xf32, #tpu.memory_space<vmem>>, vector<1024x1024xf32>
    %convert_element_type3A = arith.truncf %get3A_1 : vector<1024x1024xf32> to vector<1024x1024xbf16>
    %get3A_2 = arith.constant 0 : index
    %get3A_3 = arith.constant 0 : index
    %get3A_4 = vector.load %arg2[%get3A_2, %get3A_3] : memref<1024x3072xbf16, #tpu.memory_space<vmem>>, vector<1024x3072xbf16>
    %dot_general3A = arith.constant dense<0.000000e+00> : vector<1024x3072xf32>
    %dot_general3A_5 = tpu.matmul %convert_element_type3A, %get3A_4, %dot_general3A {dimension_numbers = #tpu.dot_dimension_numbers<[1], [0], [0], [1], [0, 0, 1, 1], [], []>, transpose_lhs_hint = false} : vector<1024x1024xbf16>, vector<1024x3072xbf16>, vector<1024x3072xf32> -> vector<1024x3072xf32>
    %get3A_6 = arith.constant 0 : index
    %get3A_7 = arith.constant 0 : index
    %get3A_8 = vector.load %arg3[%get3A_6, %get3A_7] : memref<1x3072xf32, #tpu.memory_space<vmem>>, vector<1x3072xf32>
    %get3A_9 = vector.shape_cast %get3A_8 : vector<1x3072xf32> to vector<3072xf32>
    %broadcast_in_dim3A = vector.shape_cast %get3A_9 : vector<3072xf32> to vector<1x3072xf32>
    %add3A = vector.broadcast %broadcast_in_dim3A : vector<1x3072xf32> to vector<1024x3072xf32>
    %add3A_10 = arith.addf %dot_general3A_5, %add3A : vector<1024x3072xf32>
    %convert_element_type3A_11 = arith.truncf %add3A_10 : vector<1024x3072xf32> to vector<1024x3072xbf16>
    %swap3A = arith.constant 0 : index
    %swap3A_12 = arith.constant 0 : index
    %swap3A_13 = vector.load %arg4[%swap3A, %swap3A_12] : memref<1024x3072xbf16, #tpu.memory_space<vmem>>, vector<1024x3072xbf16>
    tpu.vector_store %arg4[%swap3A, %swap3A_12], %convert_element_type3A_11 {strides = array<i32>} : memref<1024x3072xbf16, #tpu.memory_space<vmem>>, vector<1024x3072xbf16>,
    return
  }
  func.func @transform_0(%arg0: i32) -> (i32, i32) {
    %c0_i32 = arith.constant 0 : i32
    %c0_i32_0 = arith.constant 0 : i32
    return %arg0, %c0_i32 : i32, i32
  }
  func.func @transform_1(%arg0: i32) -> (i32, i32) {
    %c0_i32 = arith.constant 0 : i32
    %c0_i32_0 = arith.constant 0 : i32
    %c0_i32_1 = arith.constant 0 : i32
    return %c0_i32, %c0_i32_0 : i32, i32
  }
  func.func @transform_2(%arg0: i32) -> (i32, i32) {
    %c0_i32 = arith.constant 0 : i32
    %c0_i32_0 = arith.constant 0 : i32
    %c0_i32_1 = arith.constant 0 : i32
    return %c0_i32, %c0_i32_0 : i32, i32
  }
  func.func @transform_3(%arg0: i32) -> (i32, i32) {
    %c0_i32 = arith.constant 0 : i32
    %c0_i32_0 = arith.constant 0 : i32
    return %arg0, %c0_i32 : i32, i32
  }
}

module attributes {stable_mosaic.version = 14 : i64} {
  func.func @_attn_kernel(%arg0: i32, %arg1: i32, %arg2: memref<1x2048x128xbf16, #tpu.memory_space<vmem>>, %arg3: memref<1x2048x128xbf16, #tpu.memory_space<vmem>>, %arg4: memref<1x2048x128xbf16, #tpu.memory_space<vmem>>, %arg5: memref<1x2048x128xbf16, #tpu.memory_space<vmem>>) attributes {dimension_semantics = [#tpu.dimension_semantics<arbitrary>, #tpu.dimension_semantics<arbitrary>], iteration_bounds = array<i64: 2, 8>, scalar_prefetch = 0 : i64, scratch_operands = 0 : i64, tpu.core_type = #tpu.core_type<tc>, window_params = [{transform_indices = @transform_0, window_bounds = array<i64: 1, 2048, 128>}, {transform_indices = @transform_1, window_bounds = array<i64: 1, 2048, 128>}, {transform_indices = @transform_2, window_bounds = array<i64: 1, 2048, 128>}, {transform_indices = @transform_3, window_bounds = array<i64: 1, 2048, 128>}]} {
    %get3A = arith.constant 0 : index
    %get3A_0 = arith.constant 0 : index
    %get3A_1 = arith.constant 0 : index
    %get3A_2 = vector.load %arg2[%get3A, %get3A_0, %get3A_1] : memref<1x2048x128xbf16, #tpu.memory_space<vmem>>, vector<1x2048x128xbf16>
    %get3A_3 = vector.shape_cast %get3A_2 : vector<1x2048x128xbf16> to vector<2048x128xbf16>
    %get3A_4 = arith.constant 0 : index
    %get3A_5 = arith.constant 0 : index
    %get3A_6 = arith.constant 0 : index
    %get3A_7 = vector.load %arg3[%get3A_4, %get3A_5, %get3A_6] : memref<1x2048x128xbf16, #tpu.memory_space<vmem>>, vector<1x2048x128xbf16>
    %get3A_8 = vector.shape_cast %get3A_7 : vector<1x2048x128xbf16> to vector<2048x128xbf16>
    %get3A_9 = arith.constant 0 : index
    %get3A_10 = arith.constant 0 : index
    %get3A_11 = arith.constant 0 : index
    %get3A_12 = vector.load %arg4[%get3A_9, %get3A_10, %get3A_11] : memref<1x2048x128xbf16, #tpu.memory_space<vmem>>, vector<1x2048x128xbf16>
    %get3A_13 = vector.shape_cast %get3A_12 : vector<1x2048x128xbf16> to vector<2048x128xbf16>
    %slice3A = vector.extract_strided_slice %get3A_8 {offsets = [0, 0], sizes = [2048, 64], strides = [1, 1]} : vector<2048x128xbf16> to vector<2048x64xbf16>
    %slice3A_14 = vector.extract_strided_slice %get3A_13 {offsets = [0, 0], sizes = [2048, 64], strides = [1, 1]} : vector<2048x128xbf16> to vector<2048x64xbf16>
    %slice3A_15 = vector.extract_strided_slice %get3A_3 {offsets = [0, 0], sizes = [1024, 64], strides = [1, 1]} : vector<2048x128xbf16> to vector<1024x64xbf16>
    %dot_general3A = arith.constant dense<0.000000e+00> : vector<1024x2048xf32>
    %dot_general3A_16 = tpu.matmul %slice3A_15, %slice3A, %dot_general3A {dimension_numbers = #tpu.dot_dimension_numbers<[1], [1], [0], [0], [0, 0, 1, 0], [], []>, transpose_lhs_hint = false} : vector<1024x64xbf16>, vector<2048x64xbf16>, vector<1024x2048xf32> -> vector<1024x2048xf32>
    %reduce_max3A = arith.constant dense<0xFF800000> : vector<1024xf32>
    %reduce_max3A_17 = vector.multi_reduction <maximumf>, %dot_general3A_16, %reduce_max3A [1] : vector<1024x2048xf32> to vector<1024xf32>
    %broadcast_in_dim3A = vector.shape_cast %reduce_max3A_17 : vector<1024xf32> to vector<1024x1xf32>
    %sub3A = vector.broadcast %broadcast_in_dim3A : vector<1024x1xf32> to vector<1024x2048xf32>
    %sub3A_18 = arith.subf %dot_general3A_16, %sub3A : vector<1024x2048xf32>
    %exp3A = math.exp %sub3A_18 : vector<1024x2048xf32>
    %reduce_sum3A = arith.constant dense<0.000000e+00> : vector<1024xf32>
    %reduce_sum3A_19 = vector.multi_reduction <add>, %exp3A, %reduce_sum3A [1] : vector<1024x2048xf32> to vector<1024xf32>
    %broadcast_in_dim3A_20 = vector.shape_cast %reduce_sum3A_19 : vector<1024xf32> to vector<1024x1xf32>
    %div3A = arith.constant 1.000000e+00 : f32
    %div3A_21 = vector.broadcast %div3A : f32 to vector<1024x1xf32>
    %div3A_22 = arith.divf %div3A_21, %broadcast_in_dim3A_20 : vector<1024x1xf32>
    %convert_element_type3A = arith.truncf %exp3A : vector<1024x2048xf32> to vector<1024x2048xbf16>
    %dot_general3A_23 = arith.constant dense<0.000000e+00> : vector<1024x64xf32>
    %dot_general3A_24 = tpu.matmul %convert_element_type3A, %slice3A_14, %dot_general3A_23 {dimension_numbers = #tpu.dot_dimension_numbers<[1], [0], [0], [1], [0, 0, 1, 1], [], []>, transpose_lhs_hint = false} : vector<1024x2048xbf16>, vector<2048x64xbf16>, vector<1024x64xf32> -> vector<1024x64xf32>
    %mul3A = vector.broadcast %div3A_22 : vector<1024x1xf32> to vector<1024x64xf32>
    %mul3A_25 = arith.mulf %dot_general3A_24, %mul3A : vector<1024x64xf32>
    %convert_element_type3A_26 = arith.truncf %mul3A_25 : vector<1024x64xf32> to vector<1024x64xbf16>
    %swap3A = arith.constant 0 : index
    %swap3A_27 = arith.constant 0 : index
    %swap3A_28 = arith.constant 0 : index
    %swap3A_29 = vector.load %arg5[%swap3A, %swap3A_27, %swap3A_28] : memref<1x2048x128xbf16, #tpu.memory_space<vmem>>, vector<1x1024x64xbf16>
    %swap3A_30 = vector.shape_cast %swap3A_29 : vector<1x1024x64xbf16> to vector<1024x64xbf16>
    %swap3A_31 = vector.shape_cast %convert_element_type3A_26 : vector<1024x64xbf16> to vector<1x1024x64xbf16>
    tpu.vector_store %arg5[%swap3A, %swap3A_27, %swap3A_28], %swap3A_31 {strides = array<i32>} : memref<1x2048x128xbf16, #tpu.memory_space<vmem>>, vector<1x1024x64xbf16>,
    %slice3A_32 = vector.extract_strided_slice %get3A_3 {offsets = [1024, 0], sizes = [1024, 64], strides = [1, 1]} : vector<2048x128xbf16> to vector<1024x64xbf16>
    %dot_general3A_33 = arith.constant dense<0.000000e+00> : vector<1024x2048xf32>
    %dot_general3A_34 = tpu.matmul %slice3A_32, %slice3A, %dot_general3A_33 {dimension_numbers = #tpu.dot_dimension_numbers<[1], [1], [0], [0], [0, 0, 1, 0], [], []>, transpose_lhs_hint = false} : vector<1024x64xbf16>, vector<2048x64xbf16>, vector<1024x2048xf32> -> vector<1024x2048xf32>
    %reduce_max3A_35 = arith.constant dense<0xFF800000> : vector<1024xf32>
    %reduce_max3A_36 = vector.multi_reduction <maximumf>, %dot_general3A_34, %reduce_max3A_35 [1] : vector<1024x2048xf32> to vector<1024xf32>
    %broadcast_in_dim3A_37 = vector.shape_cast %reduce_max3A_36 : vector<1024xf32> to vector<1024x1xf32>
    %sub3A_38 = vector.broadcast %broadcast_in_dim3A_37 : vector<1024x1xf32> to vector<1024x2048xf32>
    %sub3A_39 = arith.subf %dot_general3A_34, %sub3A_38 : vector<1024x2048xf32>
    %exp3A_40 = math.exp %sub3A_39 : vector<1024x2048xf32>
    %reduce_sum3A_41 = arith.constant dense<0.000000e+00> : vector<1024xf32>
    %reduce_sum3A_42 = vector.multi_reduction <add>, %exp3A_40, %reduce_sum3A_41 [1] : vector<1024x2048xf32> to vector<1024xf32>
    %broadcast_in_dim3A_43 = vector.shape_cast %reduce_sum3A_42 : vector<1024xf32> to vector<1024x1xf32>
    %div3A_44 = arith.constant 1.000000e+00 : f32
    %div3A_45 = vector.broadcast %div3A_44 : f32 to vector<1024x1xf32>
    %div3A_46 = arith.divf %div3A_45, %broadcast_in_dim3A_43 : vector<1024x1xf32>
    %convert_element_type3A_47 = arith.truncf %exp3A_40 : vector<1024x2048xf32> to vector<1024x2048xbf16>
    %dot_general3A_48 = arith.constant dense<0.000000e+00> : vector<1024x64xf32>
    %dot_general3A_49 = tpu.matmul %convert_element_type3A_47, %slice3A_14, %dot_general3A_48 {dimension_numbers = #tpu.dot_dimension_numbers<[1], [0], [0], [1], [0, 0, 1, 1], [], []>, transpose_lhs_hint = false} : vector<1024x2048xbf16>, vector<2048x64xbf16>, vector<1024x64xf32> -> vector<1024x64xf32>
    %mul3A_50 = vector.broadcast %div3A_46 : vector<1024x1xf32> to vector<1024x64xf32>
    %mul3A_51 = arith.mulf %dot_general3A_49, %mul3A_50 : vector<1024x64xf32>
    %convert_element_type3A_52 = arith.truncf %mul3A_51 : vector<1024x64xf32> to vector<1024x64xbf16>
    %swap3A_53 = arith.constant 0 : index
    %swap3A_54 = arith.constant 1024 : index
    %swap3A_55 = arith.constant 0 : index
    %swap3A_56 = vector.load %arg5[%swap3A_53, %swap3A_54, %swap3A_55] : memref<1x2048x128xbf16, #tpu.memory_space<vmem>>, vector<1x1024x64xbf16>
    %swap3A_57 = vector.shape_cast %swap3A_56 : vector<1x1024x64xbf16> to vector<1024x64xbf16>
    %swap3A_58 = vector.shape_cast %convert_element_type3A_52 : vector<1024x64xbf16> to vector<1x1024x64xbf16>
    tpu.vector_store %arg5[%swap3A_53, %swap3A_54, %swap3A_55], %swap3A_58 {strides = array<i32>} : memref<1x2048x128xbf16, #tpu.memory_space<vmem>>, vector<1x1024x64xbf16>,
    %slice3A_59 = vector.extract_strided_slice %get3A_8 {offsets = [0, 64], sizes = [2048, 64], strides = [1, 1]} : vector<2048x128xbf16> to vector<2048x64xbf16>
    %slice3A_60 = vector.extract_strided_slice %get3A_13 {offsets = [0, 64], sizes = [2048, 64], strides = [1, 1]} : vector<2048x128xbf16> to vector<2048x64xbf16>
    %slice3A_61 = vector.extract_strided_slice %get3A_3 {offsets = [0, 64], sizes = [1024, 64], strides = [1, 1]} : vector<2048x128xbf16> to vector<1024x64xbf16>
    %dot_general3A_62 = arith.constant dense<0.000000e+00> : vector<1024x2048xf32>
    %dot_general3A_63 = tpu.matmul %slice3A_61, %slice3A_59, %dot_general3A_62 {dimension_numbers = #tpu.dot_dimension_numbers<[1], [1], [0], [0], [0, 0, 1, 0], [], []>, transpose_lhs_hint = false} : vector<1024x64xbf16>, vector<2048x64xbf16>, vector<1024x2048xf32> -> vector<1024x2048xf32>
    %reduce_max3A_64 = arith.constant dense<0xFF800000> : vector<1024xf32>
    %reduce_max3A_65 = vector.multi_reduction <maximumf>, %dot_general3A_63, %reduce_max3A_64 [1] : vector<1024x2048xf32> to vector<1024xf32>
    %broadcast_in_dim3A_66 = vector.shape_cast %reduce_max3A_65 : vector<1024xf32> to vector<1024x1xf32>
    %sub3A_67 = vector.broadcast %broadcast_in_dim3A_66 : vector<1024x1xf32> to vector<1024x2048xf32>
    %sub3A_68 = arith.subf %dot_general3A_63, %sub3A_67 : vector<1024x2048xf32>
    %exp3A_69 = math.exp %sub3A_68 : vector<1024x2048xf32>
    %reduce_sum3A_70 = arith.constant dense<0.000000e+00> : vector<1024xf32>
    %reduce_sum3A_71 = vector.multi_reduction <add>, %exp3A_69, %reduce_sum3A_70 [1] : vector<1024x2048xf32> to vector<1024xf32>
    %broadcast_in_dim3A_72 = vector.shape_cast %reduce_sum3A_71 : vector<1024xf32> to vector<1024x1xf32>
    %div3A_73 = arith.constant 1.000000e+00 : f32
    %div3A_74 = vector.broadcast %div3A_73 : f32 to vector<1024x1xf32>
    %div3A_75 = arith.divf %div3A_74, %broadcast_in_dim3A_72 : vector<1024x1xf32>
    %convert_element_type3A_76 = arith.truncf %exp3A_69 : vector<1024x2048xf32> to vector<1024x2048xbf16>
    %dot_general3A_77 = arith.constant dense<0.000000e+00> : vector<1024x64xf32>
    %dot_general3A_78 = tpu.matmul %convert_element_type3A_76, %slice3A_60, %dot_general3A_77 {dimension_numbers = #tpu.dot_dimension_numbers<[1], [0], [0], [1], [0, 0, 1, 1], [], []>, transpose_lhs_hint = false} : vector<1024x2048xbf16>, vector<2048x64xbf16>, vector<1024x64xf32> -> vector<1024x64xf32>
    %mul3A_79 = vector.broadcast %div3A_75 : vector<1024x1xf32> to vector<1024x64xf32>
    %mul3A_80 = arith.mulf %dot_general3A_78, %mul3A_79 : vector<1024x64xf32>
    %convert_element_type3A_81 = arith.truncf %mul3A_80 : vector<1024x64xf32> to vector<1024x64xbf16>
    %swap3A_82 = arith.constant 0 : index
    %swap3A_83 = arith.constant 0 : index
    %swap3A_84 = arith.constant 64 : index
    %swap3A_85 = vector.load %arg5[%swap3A_82, %swap3A_83, %swap3A_84] : memref<1x2048x128xbf16, #tpu.memory_space<vmem>>, vector<1x1024x64xbf16>
    %swap3A_86 = vector.shape_cast %swap3A_85 : vector<1x1024x64xbf16> to vector<1024x64xbf16>
    %swap3A_87 = vector.shape_cast %convert_element_type3A_81 : vector<1024x64xbf16> to vector<1x1024x64xbf16>
    tpu.vector_store %arg5[%swap3A_82, %swap3A_83, %swap3A_84], %swap3A_87 {strides = array<i32>} : memref<1x2048x128xbf16, #tpu.memory_space<vmem>>, vector<1x1024x64xbf16>,
    %slice3A_88 = vector.extract_strided_slice %get3A_3 {offsets = [1024, 64], sizes = [1024, 64], strides = [1, 1]} : vector<2048x128xbf16> to vector<1024x64xbf16>
    %dot_general3A_89 = arith.constant dense<0.000000e+00> : vector<1024x2048xf32>
    %dot_general3A_90 = tpu.matmul %slice3A_88, %slice3A_59, %dot_general3A_89 {dimension_numbers = #tpu.dot_dimension_numbers<[1], [1], [0], [0], [0, 0, 1, 0], [], []>, transpose_lhs_hint = false} : vector<1024x64xbf16>, vector<2048x64xbf16>, vector<1024x2048xf32> -> vector<1024x2048xf32>
    %reduce_max3A_91 = arith.constant dense<0xFF800000> : vector<1024xf32>
    %reduce_max3A_92 = vector.multi_reduction <maximumf>, %dot_general3A_90, %reduce_max3A_91 [1] : vector<1024x2048xf32> to vector<1024xf32>
    %broadcast_in_dim3A_93 = vector.shape_cast %reduce_max3A_92 : vector<1024xf32> to vector<1024x1xf32>
    %sub3A_94 = vector.broadcast %broadcast_in_dim3A_93 : vector<1024x1xf32> to vector<1024x2048xf32>
    %sub3A_95 = arith.subf %dot_general3A_90, %sub3A_94 : vector<1024x2048xf32>
    %exp3A_96 = math.exp %sub3A_95 : vector<1024x2048xf32>
    %reduce_sum3A_97 = arith.constant dense<0.000000e+00> : vector<1024xf32>
    %reduce_sum3A_98 = vector.multi_reduction <add>, %exp3A_96, %reduce_sum3A_97 [1] : vector<1024x2048xf32> to vector<1024xf32>
    %broadcast_in_dim3A_99 = vector.shape_cast %reduce_sum3A_98 : vector<1024xf32> to vector<1024x1xf32>
    %div3A_100 = arith.constant 1.000000e+00 : f32
    %div3A_101 = vector.broadcast %div3A_100 : f32 to vector<1024x1xf32>
    %div3A_102 = arith.divf %div3A_101, %broadcast_in_dim3A_99 : vector<1024x1xf32>
    %convert_element_type3A_103 = arith.truncf %exp3A_96 : vector<1024x2048xf32> to vector<1024x2048xbf16>
    %dot_general3A_104 = arith.constant dense<0.000000e+00> : vector<1024x64xf32>
    %dot_general3A_105 = tpu.matmul %convert_element_type3A_103, %slice3A_60, %dot_general3A_104 {dimension_numbers = #tpu.dot_dimension_numbers<[1], [0], [0], [1], [0, 0, 1, 1], [], []>, transpose_lhs_hint = false} : vector<1024x2048xbf16>, vector<2048x64xbf16>, vector<1024x64xf32> -> vector<1024x64xf32>
    %mul3A_106 = vector.broadcast %div3A_102 : vector<1024x1xf32> to vector<1024x64xf32>
    %mul3A_107 = arith.mulf %dot_general3A_105, %mul3A_106 : vector<1024x64xf32>
    %convert_element_type3A_108 = arith.truncf %mul3A_107 : vector<1024x64xf32> to vector<1024x64xbf16>
    %swap3A_109 = arith.constant 0 : index
    %swap3A_110 = arith.constant 1024 : index
    %swap3A_111 = arith.constant 64 : index
    %swap3A_112 = vector.load %arg5[%swap3A_109, %swap3A_110, %swap3A_111] : memref<1x2048x128xbf16, #tpu.memory_space<vmem>>, vector<1x1024x64xbf16>
    %swap3A_113 = vector.shape_cast %swap3A_112 : vector<1x1024x64xbf16> to vector<1024x64xbf16>
    %swap3A_114 = vector.shape_cast %convert_element_type3A_108 : vector<1024x64xbf16> to vector<1x1024x64xbf16>
    tpu.vector_store %arg5[%swap3A_109, %swap3A_110, %swap3A_111], %swap3A_114 {strides = array<i32>} : memref<1x2048x128xbf16, #tpu.memory_space<vmem>>, vector<1x1024x64xbf16>,
    return
  }
  func.func @transform_0(%arg0: i32, %arg1: i32) -> (i32, i32, i32) {
    %c0_i32 = arith.constant 0 : i32
    %c0_i32_0 = arith.constant 0 : i32
    return %arg0, %c0_i32, %arg1 : i32, i32, i32
  }
  func.func @transform_1(%arg0: i32, %arg1: i32) -> (i32, i32, i32) {
    %add3A = arith.constant 8 : i32
    %add3A_0 = arith.addi %add3A, %arg1 : i32
    %c0_i32 = arith.constant 0 : i32
    %c0_i32_1 = arith.constant 0 : i32
    return %arg0, %c0_i32, %add3A_0 : i32, i32, i32
  }
  func.func @transform_2(%arg0: i32, %arg1: i32) -> (i32, i32, i32) {
    %add3A = arith.constant 16 : i32
    %add3A_0 = arith.addi %add3A, %arg1 : i32
    %c0_i32 = arith.constant 0 : i32
    %c0_i32_1 = arith.constant 0 : i32
    return %arg0, %c0_i32, %add3A_0 : i32, i32, i32
  }
  func.func @transform_3(%arg0: i32, %arg1: i32) -> (i32, i32, i32) {
    %c0_i32 = arith.constant 0 : i32
    %c0_i32_0 = arith.constant 0 : i32
    return %arg0, %c0_i32, %arg1 : i32, i32, i32
  }
}

module attributes {stable_mosaic.version = 14 : i64} {
  func.func @_mid_kernel(%arg0: i32, %arg1: memref<512x1024xbf16, #tpu.memory_space<vmem>>, %arg2: memref<512x1024xf32, #tpu.memory_space<vmem>>, %arg3: memref<1024x1024xbf16, #tpu.memory_space<vmem>>, %arg4: memref<1x1024xf32, #tpu.memory_space<vmem>>, %arg5: memref<1x1024xf32, #tpu.memory_space<vmem>>, %arg6: memref<1x1024xf32, #tpu.memory_space<vmem>>, %arg7: memref<1024x8xf32, #tpu.memory_space<vmem>>, %arg8: memref<1x8xf32, #tpu.memory_space<vmem>>, %arg9: memref<512x1024xf32, #tpu.memory_space<vmem>>, %arg10: memref<512x8xf32, #tpu.memory_space<vmem>>, %arg11: memref<512x8xf32, #tpu.memory_space<vmem>>, %arg12: memref<512x8xf32, #tpu.memory_space<vmem>>, %arg13: memref<512x1xf32, #tpu.memory_space<vmem>>, %arg14: memref<512x1xf32, #tpu.memory_space<vmem>>) attributes {dimension_semantics = [#tpu.dimension_semantics<arbitrary>], iteration_bounds = array<i64: 8>, scalar_prefetch = 0 : i64, scratch_operands = 0 : i64, tpu.core_type = #tpu.core_type<tc>, window_params = [{transform_indices = @transform_0, window_bounds = array<i64: 512, 1024>}, {transform_indices = @transform_1, window_bounds = array<i64: 512, 1024>}, {pipeline_mode = #tpu.pipeline_mode<synchronous>, transform_indices = @transform_2, window_bounds = array<i64: 1024, 1024>}, {pipeline_mode = #tpu.pipeline_mode<synchronous>, transform_indices = @transform_3, window_bounds = array<i64: 1, 1024>}, {pipeline_mode = #tpu.pipeline_mode<synchronous>, transform_indices = @transform_4, window_bounds = array<i64: 1, 1024>}, {pipeline_mode = #tpu.pipeline_mode<synchronous>, transform_indices = @transform_5, window_bounds = array<i64: 1, 1024>}, {pipeline_mode = #tpu.pipeline_mode<synchronous>, transform_indices = @transform_6, window_bounds = array<i64: 1024, 8>}, {pipeline_mode = #tpu.pipeline_mode<synchronous>, transform_indices = @transform_7, window_bounds = array<i64: 1, 8>}, {transform_indices = @transform_8, window_bounds = array<i64: 512, 1024>}, {transform_indices = @transform_9, window_bounds = array<i64: 512, 8>}, {transform_indices = @transform_10, window_bounds = array<i64: 512, 8>}, {transform_indices = @transform_11, window_bounds = array<i64: 512, 8>}, {transform_indices = @transform_12, window_bounds = array<i64: 512, 1>}, {transform_indices = @transform_13, window_bounds = array<i64: 512, 1>}]} {
    %get3A = arith.constant 0 : index
    %get3A_0 = arith.constant 0 : index
    %get3A_1 = vector.load %arg1[%get3A, %get3A_0] : memref<512x1024xbf16, #tpu.memory_space<vmem>>, vector<512x1024xbf16>
    %get3A_2 = arith.constant 0 : index
    %get3A_3 = arith.constant 0 : index
    %get3A_4 = vector.load %arg3[%get3A_2, %get3A_3] : memref<1024x1024xbf16, #tpu.memory_space<vmem>>, vector<1024x1024xbf16>
    %dot_general3A = arith.constant dense<0.000000e+00> : vector<512x1024xf32>
    %dot_general3A_5 = tpu.matmul %get3A_1, %get3A_4, %dot_general3A {dimension_numbers = #tpu.dot_dimension_numbers<[1], [0], [0], [1], [0, 0, 1, 1], [], []>, transpose_lhs_hint = false} : vector<512x1024xbf16>, vector<1024x1024xbf16>, vector<512x1024xf32> -> vector<512x1024xf32>
    %get3A_6 = arith.constant 0 : index
    %get3A_7 = arith.constant 0 : index
    %get3A_8 = vector.load %arg4[%get3A_6, %get3A_7] : memref<1x1024xf32, #tpu.memory_space<vmem>>, vector<1x1024xf32>
    %get3A_9 = vector.shape_cast %get3A_8 : vector<1x1024xf32> to vector<1024xf32>
    %broadcast_in_dim3A = vector.shape_cast %get3A_9 : vector<1024xf32> to vector<1x1024xf32>
    %add3A = vector.broadcast %broadcast_in_dim3A : vector<1x1024xf32> to vector<512x1024xf32>
    %add3A_10 = arith.addf %dot_general3A_5, %add3A : vector<512x1024xf32>
    %get3A_11 = arith.constant 0 : index
    %get3A_12 = arith.constant 0 : index
    %get3A_13 = vector.load %arg2[%get3A_11, %get3A_12] : memref<512x1024xf32, #tpu.memory_space<vmem>>, vector<512x1024xf32>
    %add3A_14 = arith.addf %get3A_13, %add3A_10 : vector<512x1024xf32>
    %reduce_sum3A = arith.constant dense<0.000000e+00> : vector<512xf32>
    %reduce_sum3A_15 = vector.multi_reduction <add>, %add3A_14, %reduce_sum3A [1] : vector<512x1024xf32> to vector<512xf32>
    %broadcast_in_dim3A_16 = vector.shape_cast %reduce_sum3A_15 : vector<512xf32> to vector<512x1xf32>
    %div3A = arith.constant 1.024000e+03 : f32
    %div3A_17 = vector.broadcast %div3A : f32 to vector<512x1xf32>
    %div3A_18 = arith.divf %broadcast_in_dim3A_16, %div3A_17 : vector<512x1xf32>
    %sub3A = vector.broadcast %div3A_18 : vector<512x1xf32> to vector<512x1024xf32>
    %sub3A_19 = arith.subf %add3A_14, %sub3A : vector<512x1024xf32>
    %mul3A = arith.mulf %sub3A_19, %sub3A_19 : vector<512x1024xf32>
    %reduce_sum3A_20 = arith.constant dense<0.000000e+00> : vector<512xf32>
    %reduce_sum3A_21 = vector.multi_reduction <add>, %mul3A, %reduce_sum3A_20 [1] : vector<512x1024xf32> to vector<512xf32>
    %broadcast_in_dim3A_22 = vector.shape_cast %reduce_sum3A_21 : vector<512xf32> to vector<512x1xf32>
    %div3A_23 = arith.constant 1.024000e+03 : f32
    %div3A_24 = vector.broadcast %div3A_23 : f32 to vector<512x1xf32>
    %div3A_25 = arith.divf %broadcast_in_dim3A_22, %div3A_24 : vector<512x1xf32>
    %add3A_26 = arith.constant 9.99999974E-6 : f32
    %add3A_27 = vector.broadcast %add3A_26 : f32 to vector<512x1xf32>
    %add3A_28 = arith.addf %div3A_25, %add3A_27 : vector<512x1xf32>
    %sqrt3A = math.sqrt %add3A_28 : vector<512x1xf32>
    %div3A_29 = vector.broadcast %sqrt3A : vector<512x1xf32> to vector<512x1024xf32>
    %div3A_30 = arith.divf %sub3A_19, %div3A_29 : vector<512x1024xf32>
    %get3A_31 = arith.constant 0 : index
    %get3A_32 = arith.constant 0 : index
    %get3A_33 = vector.load %arg5[%get3A_31, %get3A_32] : memref<1x1024xf32, #tpu.memory_space<vmem>>, vector<1x1024xf32>
    %get3A_34 = vector.shape_cast %get3A_33 : vector<1x1024xf32> to vector<1024xf32>
    %broadcast_in_dim3A_35 = vector.shape_cast %get3A_34 : vector<1024xf32> to vector<1x1024xf32>
    %mul3A_36 = vector.broadcast %broadcast_in_dim3A_35 : vector<1x1024xf32> to vector<512x1024xf32>
    %mul3A_37 = arith.mulf %div3A_30, %mul3A_36 : vector<512x1024xf32>
    %get3A_38 = arith.constant 0 : index
    %get3A_39 = arith.constant 0 : index
    %get3A_40 = vector.load %arg6[%get3A_38, %get3A_39] : memref<1x1024xf32, #tpu.memory_space<vmem>>, vector<1x1024xf32>
    %get3A_41 = vector.shape_cast %get3A_40 : vector<1x1024xf32> to vector<1024xf32>
    %broadcast_in_dim3A_42 = vector.shape_cast %get3A_41 : vector<1024xf32> to vector<1x1024xf32>
    %add3A_43 = vector.broadcast %broadcast_in_dim3A_42 : vector<1x1024xf32> to vector<512x1024xf32>
    %add3A_44 = arith.addf %mul3A_37, %add3A_43 : vector<512x1024xf32>
    %swap3A = arith.constant 0 : index
    %swap3A_45 = arith.constant 0 : index
    %swap3A_46 = vector.load %arg9[%swap3A, %swap3A_45] : memref<512x1024xf32, #tpu.memory_space<vmem>>, vector<512x1024xf32>
    tpu.vector_store %arg9[%swap3A, %swap3A_45], %add3A_44 {strides = array<i32>} : memref<512x1024xf32, #tpu.memory_space<vmem>>, vector<512x1024xf32>,
    %convert_element_type3A = arith.truncf %add3A_44 : vector<512x1024xf32> to vector<512x1024xbf16>
    %get3A_47 = arith.constant 0 : index
    %get3A_48 = arith.constant 0 : index
    %get3A_49 = vector.load %arg7[%get3A_47, %get3A_48] : memref<1024x8xf32, #tpu.memory_space<vmem>>, vector<1024x8xf32>
    %convert_element_type3A_50 = arith.truncf %get3A_49 : vector<1024x8xf32> to vector<1024x8xbf16>
    %dot_general3A_51 = arith.constant dense<0.000000e+00> : vector<512x8xf32>
    %dot_general3A_52 = tpu.matmul %convert_element_type3A, %convert_element_type3A_50, %dot_general3A_51 {dimension_numbers = #tpu.dot_dimension_numbers<[1], [0], [0], [1], [0, 0, 1, 1], [], []>, transpose_lhs_hint = false} : vector<512x1024xbf16>, vector<1024x8xbf16>, vector<512x8xf32> -> vector<512x8xf32>
    %get3A_53 = arith.constant 0 : index
    %get3A_54 = arith.constant 0 : index
    %get3A_55 = vector.load %arg8[%get3A_53, %get3A_54] : memref<1x8xf32, #tpu.memory_space<vmem>>, vector<1x8xf32>
    %get3A_56 = vector.shape_cast %get3A_55 : vector<1x8xf32> to vector<8xf32>
    %broadcast_in_dim3A_57 = vector.shape_cast %get3A_56 : vector<8xf32> to vector<1x8xf32>
    %add3A_58 = vector.broadcast %broadcast_in_dim3A_57 : vector<1x8xf32> to vector<512x8xf32>
    %add3A_59 = arith.addf %dot_general3A_52, %add3A_58 : vector<512x8xf32>
    %reduce_max3A = arith.constant dense<0xFF800000> : vector<512xf32>
    %reduce_max3A_60 = vector.multi_reduction <maximumf>, %add3A_59, %reduce_max3A [1] : vector<512x8xf32> to vector<512xf32>
    %broadcast_in_dim3A_61 = vector.shape_cast %reduce_max3A_60 : vector<512xf32> to vector<512x1xf32>
    %sub3A_62 = vector.broadcast %broadcast_in_dim3A_61 : vector<512x1xf32> to vector<512x8xf32>
    %sub3A_63 = arith.subf %add3A_59, %sub3A_62 : vector<512x8xf32>
    %exp3A = math.exp %sub3A_63 : vector<512x8xf32>
    %reduce_sum3A_64 = arith.constant dense<0.000000e+00> : vector<512xf32>
    %reduce_sum3A_65 = vector.multi_reduction <add>, %exp3A, %reduce_sum3A_64 [1] : vector<512x8xf32> to vector<512xf32>
    %broadcast_in_dim3A_66 = vector.shape_cast %reduce_sum3A_65 : vector<512xf32> to vector<512x1xf32>
    %div3A_67 = vector.broadcast %broadcast_in_dim3A_66 : vector<512x1xf32> to vector<512x8xf32>
    %div3A_68 = arith.divf %exp3A, %div3A_67 : vector<512x8xf32>
    %swap3A_69 = arith.constant 0 : index
    %swap3A_70 = arith.constant 0 : index
    %swap3A_71 = vector.load %arg10[%swap3A_69, %swap3A_70] : memref<512x8xf32, #tpu.memory_space<vmem>>, vector<512x8xf32>
    tpu.vector_store %arg10[%swap3A_69, %swap3A_70], %div3A_68 {strides = array<i32>} : memref<512x8xf32, #tpu.memory_space<vmem>>, vector<512x8xf32>,
    %iota3A = tpu.iota {dimensions = array<i32: 1>} : vector<512x8xi32>
    %argmax3A = tpu.reduce_index %div3A_68 {axis = 1 : i32, kind = #tpu.reduction_kind<arg_max>} : vector<512x8xf32> -> vector<512xi32>
    %reduce_max3A_72 = arith.constant dense<0xFF800000> : vector<512xf32>
    %reduce_max3A_73 = vector.multi_reduction <maximumf>, %div3A_68, %reduce_max3A_72 [1] : vector<512x8xf32> to vector<512xf32>
    %broadcast_in_dim3A_74 = vector.shape_cast %argmax3A : vector<512xi32> to vector<512x1xi32>
    %eq3A = vector.broadcast %broadcast_in_dim3A_74 : vector<512x1xi32> to vector<512x8xi32>
    %eq3A_75 = arith.cmpi eq, %iota3A, %eq3A : vector<512x8xi32>
    %jit3A = arith.constant -1.000000e+00 : f32
    %broadcast_in_dim3A_76 = vector.broadcast %jit3A : f32 to vector<512x8xf32>
    %select_n3A = arith.select %eq3A_75, %broadcast_in_dim3A_76, %div3A_68 : vector<512x8xi1>, vector<512x8xf32>
    %argmax3A_77 = tpu.reduce_index %select_n3A {axis = 1 : i32, kind = #tpu.reduction_kind<arg_max>} : vector<512x8xf32> -> vector<512xi32>
    %reduce_max3A_78 = arith.constant dense<0xFF800000> : vector<512xf32>
    %reduce_max3A_79 = vector.multi_reduction <maximumf>, %select_n3A, %reduce_max3A_78 [1] : vector<512x8xf32> to vector<512xf32>
    %broadcast_in_dim3A_80 = vector.shape_cast %argmax3A_77 : vector<512xi32> to vector<512x1xi32>
    %eq3A_81 = vector.broadcast %broadcast_in_dim3A_80 : vector<512x1xi32> to vector<512x8xi32>
    %eq3A_82 = arith.cmpi eq, %iota3A, %eq3A_81 : vector<512x8xi32>
    %add3A_83 = arith.addf %reduce_max3A_73, %reduce_max3A_79 : vector<512xf32>
    %convert_element_type3A_84 = arith.extui %eq3A_75 : vector<512x8xi1> to vector<512x8xi32>
    %convert_element_type3A_85 = arith.sitofp %convert_element_type3A_84 : vector<512x8xi32> to vector<512x8xf32>
    %swap3A_86 = arith.constant 0 : index
    %swap3A_87 = arith.constant 0 : index
    %swap3A_88 = vector.load %arg11[%swap3A_86, %swap3A_87] : memref<512x8xf32, #tpu.memory_space<vmem>>, vector<512x8xf32>
    tpu.vector_store %arg11[%swap3A_86, %swap3A_87], %convert_element_type3A_85 {strides = array<i32>} : memref<512x8xf32, #tpu.memory_space<vmem>>, vector<512x8xf32>,
    %convert_element_type3A_89 = arith.extui %eq3A_82 : vector<512x8xi1> to vector<512x8xi32>
    %convert_element_type3A_90 = arith.sitofp %convert_element_type3A_89 : vector<512x8xi32> to vector<512x8xf32>
    %swap3A_91 = arith.constant 0 : index
    %swap3A_92 = arith.constant 0 : index
    %swap3A_93 = vector.load %arg12[%swap3A_91, %swap3A_92] : memref<512x8xf32, #tpu.memory_space<vmem>>, vector<512x8xf32>
    tpu.vector_store %arg12[%swap3A_91, %swap3A_92], %convert_element_type3A_90 {strides = array<i32>} : memref<512x8xf32, #tpu.memory_space<vmem>>, vector<512x8xf32>,
    %div3A_94 = arith.divf %reduce_max3A_73, %add3A_83 : vector<512xf32>
    %broadcast_in_dim3A_95 = vector.shape_cast %div3A_94 : vector<512xf32> to vector<512x1xf32>
    %swap3A_96 = arith.constant 0 : index
    %swap3A_97 = arith.constant 0 : index
    %swap3A_98 = vector.load %arg13[%swap3A_96, %swap3A_97] : memref<512x1xf32, #tpu.memory_space<vmem>>, vector<512x1xf32>
    tpu.vector_store %arg13[%swap3A_96, %swap3A_97], %broadcast_in_dim3A_95 {strides = array<i32>} : memref<512x1xf32, #tpu.memory_space<vmem>>, vector<512x1xf32>,
    %div3A_99 = arith.divf %reduce_max3A_79, %add3A_83 : vector<512xf32>
    %broadcast_in_dim3A_100 = vector.shape_cast %div3A_99 : vector<512xf32> to vector<512x1xf32>
    %swap3A_101 = arith.constant 0 : index
    %swap3A_102 = arith.constant 0 : index
    %swap3A_103 = vector.load %arg14[%swap3A_101, %swap3A_102] : memref<512x1xf32, #tpu.memory_space<vmem>>, vector<512x1xf32>
    tpu.vector_store %arg14[%swap3A_101, %swap3A_102], %broadcast_in_dim3A_100 {strides = array<i32>} : memref<512x1xf32, #tpu.memory_space<vmem>>, vector<512x1xf32>,
    return
  }
  func.func @transform_0(%arg0: i32) -> (i32, i32) {
    %c0_i32 = arith.constant 0 : i32
    %c0_i32_0 = arith.constant 0 : i32
    return %arg0, %c0_i32 : i32, i32
  }
  func.func @transform_1(%arg0: i32) -> (i32, i32) {
    %c0_i32 = arith.constant 0 : i32
    %c0_i32_0 = arith.constant 0 : i32
    return %arg0, %c0_i32 : i32, i32
  }
  func.func @transform_2(%arg0: i32) -> (i32, i32) {
    %c0_i32 = arith.constant 0 : i32
    %c0_i32_0 = arith.constant 0 : i32
    %c0_i32_1 = arith.constant 0 : i32
    return %c0_i32, %c0_i32_0 : i32, i32
  }
  func.func @transform_3(%arg0: i32) -> (i32, i32) {
    %c0_i32 = arith.constant 0 : i32
    %c0_i32_0 = arith.constant 0 : i32
    %c0_i32_1 = arith.constant 0 : i32
    return %c0_i32, %c0_i32_0 : i32, i32
  }
  func.func @transform_4(%arg0: i32) -> (i32, i32) {
    %c0_i32 = arith.constant 0 : i32
    %c0_i32_0 = arith.constant 0 : i32
    %c0_i32_1 = arith.constant 0 : i32
    return %c0_i32, %c0_i32_0 : i32, i32
  }
  func.func @transform_5(%arg0: i32) -> (i32, i32) {
    %c0_i32 = arith.constant 0 : i32
    %c0_i32_0 = arith.constant 0 : i32
    %c0_i32_1 = arith.constant 0 : i32
    return %c0_i32, %c0_i32_0 : i32, i32
  }
  func.func @transform_6(%arg0: i32) -> (i32, i32) {
    %c0_i32 = arith.constant 0 : i32
    %c0_i32_0 = arith.constant 0 : i32
    %c0_i32_1 = arith.constant 0 : i32
    return %c0_i32, %c0_i32_0 : i32, i32
  }
  func.func @transform_7(%arg0: i32) -> (i32, i32) {
    %c0_i32 = arith.constant 0 : i32
    %c0_i32_0 = arith.constant 0 : i32
    %c0_i32_1 = arith.constant 0 : i32
    return %c0_i32, %c0_i32_0 : i32, i32
  }
  func.func @transform_8(%arg0: i32) -> (i32, i32) {
    %c0_i32 = arith.constant 0 : i32
    %c0_i32_0 = arith.constant 0 : i32
    return %arg0, %c0_i32 : i32, i32
  }
  func.func @transform_9(%arg0: i32) -> (i32, i32) {
    %c0_i32 = arith.constant 0 : i32
    %c0_i32_0 = arith.constant 0 : i32
    return %arg0, %c0_i32 : i32, i32
  }
  func.func @transform_10(%arg0: i32) -> (i32, i32) {
    %c0_i32 = arith.constant 0 : i32
    %c0_i32_0 = arith.constant 0 : i32
    return %arg0, %c0_i32 : i32, i32
  }
  func.func @transform_11(%arg0: i32) -> (i32, i32) {
    %c0_i32 = arith.constant 0 : i32
    %c0_i32_0 = arith.constant 0 : i32
    return %arg0, %c0_i32 : i32, i32
  }
  func.func @transform_12(%arg0: i32) -> (i32, i32) {
    %c0_i32 = arith.constant 0 : i32
    %c0_i32_0 = arith.constant 0 : i32
    return %arg0, %c0_i32 : i32, i32
  }
  func.func @transform_13(%arg0: i32) -> (i32, i32) {
    %c0_i32 = arith.constant 0 : i32
    %c0_i32_0 = arith.constant 0 : i32
    return %arg0, %c0_i32 : i32, i32
  }
}

module attributes {stable_mosaic.version = 14 : i64} {
  func.func @_route_kernel(%arg0: i32, %arg1: memref<8x512xf32, #tpu.memory_space<vmem>>, %arg2: memref<1x1x512xi32, #tpu.memory_space<vmem>>, %arg3: memref<8x1xf32, #tpu.memory_space<vmem>>, %arg4: memref<8x128xf32, #tpu.memory_space<vmem>>) attributes {dimension_semantics = [#tpu.dimension_semantics<arbitrary>], iteration_bounds = array<i64: 16>, scalar_prefetch = 0 : i64, scratch_operands = 1 : i64, tpu.core_type = #tpu.core_type<tc>, window_params = [{transform_indices = @transform_0, window_bounds = array<i64: 8, 512>}, {transform_indices = @transform_1, window_bounds = array<i64: 1, 1, 512>}, {pipeline_mode = #tpu.pipeline_mode<synchronous>, transform_indices = @transform_2, window_bounds = array<i64: 8, 1>}]} {
    %eq3A = arith.constant 0 : i32
    %eq3A_0 = arith.cmpi eq, %arg0, %eq3A : i32
    %convert_element_type3A = arith.extui %eq3A_0 : i1 to i32
    %cond3A = arith.constant 0 : i32
    %cond3A_1 = arith.cmpi ne, %convert_element_type3A, %cond3A : i32
    scf.if %cond3A_1 {
      %broadcast_in_dim3A_46 = arith.constant 0.000000e+00 : f32
      %broadcast_in_dim3A_47 = vector.broadcast %broadcast_in_dim3A_46 : f32 to vector<8x128xf32>
      %swap3A_48 = arith.constant 0 : index
      %swap3A_49 = arith.constant 0 : index
      %swap3A_50 = vector.load %arg4[%swap3A_48, %swap3A_49] : memref<8x128xf32, #tpu.memory_space<vmem>>, vector<8x128xf32>
      tpu.vector_store %arg4[%swap3A_48, %swap3A_49], %broadcast_in_dim3A_47 {strides = array<i32>} : memref<8x128xf32, #tpu.memory_space<vmem>>, vector<8x128xf32>,
    } else {
    }
    %get3A = arith.constant 0 : index
    %get3A_2 = arith.constant 0 : index
    %get3A_3 = vector.load %arg1[%get3A, %get3A_2] : memref<8x512xf32, #tpu.memory_space<vmem>>, vector<8x512xf32>
    %iota3A = tpu.iota {dimensions = array<i32: 0>} : vector<512x512xi32>
    %iota3A_4 = tpu.iota {dimensions = array<i32: 1>} : vector<512x512xi32>
    %lt3A = arith.cmpi slt, %iota3A, %iota3A_4 : vector<512x512xi32>
    %convert_element_type3A_5 = arith.extui %lt3A : vector<512x512xi1> to vector<512x512xi32>
    %convert_element_type3A_6 = arith.sitofp %convert_element_type3A_5 : vector<512x512xi32> to vector<512x512xf32>
    %dot_general3A = arith.constant dense<0.000000e+00> : vector<8x512xf32>
    %dot_general3A_7 = tpu.matmul %get3A_3, %convert_element_type3A_6, %dot_general3A {dimension_numbers = #tpu.dot_dimension_numbers<[1], [0], [0], [1], [0, 0, 1, 1], [], []>, transpose_lhs_hint = false} : vector<8x512xf32>, vector<512x512xf32>, vector<8x512xf32> -> vector<8x512xf32>
    %get3A_8 = arith.constant 0 : index
    %get3A_9 = arith.constant 0 : index
    %get3A_10 = vector.load %arg4[%get3A_8, %get3A_9] : memref<8x128xf32, #tpu.memory_space<vmem>>, vector<8x1xf32>
    %add3A = vector.broadcast %get3A_10 : vector<8x1xf32> to vector<8x512xf32>
    %add3A_11 = arith.addf %dot_general3A_7, %add3A : vector<8x512xf32>
    %mul3A = arith.mulf %get3A_3, %add3A_11 : vector<8x512xf32>
    %reduce_sum3A = arith.constant dense<0.000000e+00> : vector<512xf32>
    %reduce_sum3A_12 = vector.multi_reduction <add>, %mul3A, %reduce_sum3A [0] : vector<8x512xf32> to vector<512xf32>
    %broadcast_in_dim3A = vector.shape_cast %reduce_sum3A_12 : vector<512xf32> to vector<1x512xf32>
    %iota3A_13 = tpu.iota {dimensions = array<i32: 0>} : vector<8x512xi32>
    %convert_element_type3A_14 = arith.sitofp %iota3A_13 : vector<8x512xi32> to vector<8x512xf32>
    %mul3A_15 = arith.mulf %get3A_3, %convert_element_type3A_14 : vector<8x512xf32>
    %reduce_sum3A_16 = arith.constant dense<0.000000e+00> : vector<512xf32>
    %reduce_sum3A_17 = vector.multi_reduction <add>, %mul3A_15, %reduce_sum3A_16 [0] : vector<8x512xf32> to vector<512xf32>
    %broadcast_in_dim3A_18 = vector.shape_cast %reduce_sum3A_17 : vector<512xf32> to vector<1x512xf32>
    %mul3A_19 = arith.constant 4.096000e+03 : f32
    %mul3A_20 = vector.broadcast %mul3A_19 : f32 to vector<1x512xf32>
    %mul3A_21 = arith.mulf %broadcast_in_dim3A_18, %mul3A_20 : vector<1x512xf32>
    %add3A_22 = arith.addf %mul3A_21, %broadcast_in_dim3A : vector<1x512xf32>
    %convert_element_type3A_23 = arith.fptosi %add3A_22 : vector<1x512xf32> to vector<1x512xi32>
    %swap3A = arith.constant 0 : index
    %swap3A_24 = arith.constant 0 : index
    %swap3A_25 = arith.constant 0 : index
    %swap3A_26 = vector.load %arg2[%swap3A, %swap3A_24, %swap3A_25] : memref<1x1x512xi32, #tpu.memory_space<vmem>>, vector<1x1x512xi32>
    %swap3A_27 = vector.shape_cast %swap3A_26 : vector<1x1x512xi32> to vector<1x512xi32>
    %swap3A_28 = vector.shape_cast %convert_element_type3A_23 : vector<1x512xi32> to vector<1x1x512xi32>
    tpu.vector_store %arg2[%swap3A, %swap3A_24, %swap3A_25], %swap3A_28 {strides = array<i32>} : memref<1x1x512xi32, #tpu.memory_space<vmem>>, vector<1x1x512xi32>,
    %get3A_29 = arith.constant 0 : index
    %get3A_30 = arith.constant 0 : index
    %get3A_31 = vector.load %arg4[%get3A_29, %get3A_30] : memref<8x128xf32, #tpu.memory_space<vmem>>, vector<8x128xf32>
    %reduce_sum3A_32 = arith.constant dense<0.000000e+00> : vector<8xf32>
    %reduce_sum3A_33 = vector.multi_reduction <add>, %get3A_3, %reduce_sum3A_32 [1] : vector<8x512xf32> to vector<8xf32>
    %broadcast_in_dim3A_34 = vector.shape_cast %reduce_sum3A_33 : vector<8xf32> to vector<8x1xf32>
    %broadcast_in_dim3A_35 = vector.shape_cast %broadcast_in_dim3A_34 : vector<8x1xf32> to vector<8x1xf32>
    %broadcast_in_dim3A_36 = vector.broadcast %broadcast_in_dim3A_35 : vector<8x1xf32> to vector<8x128xf32>
    %add3A_37 = arith.addf %get3A_31, %broadcast_in_dim3A_36 : vector<8x128xf32>
    %swap3A_38 = arith.constant 0 : index
    %swap3A_39 = arith.constant 0 : index
    %swap3A_40 = vector.load %arg4[%swap3A_38, %swap3A_39] : memref<8x128xf32, #tpu.memory_space<vmem>>, vector<8x128xf32>
    tpu.vector_store %arg4[%swap3A_38, %swap3A_39], %add3A_37 {strides = array<i32>} : memref<8x128xf32, #tpu.memory_space<vmem>>, vector<8x128xf32>,
    %eq3A_41 = arith.constant 15 : i32
    %eq3A_42 = arith.cmpi eq, %arg0, %eq3A_41 : i32
    %convert_element_type3A_43 = arith.extui %eq3A_42 : i1 to i32
    %cond3A_44 = arith.constant 0 : i32
    %cond3A_45 = arith.cmpi ne, %convert_element_type3A_43, %cond3A_44 : i32
    scf.if %cond3A_45 {
      %get3A_46 = arith.constant 0 : index
      %get3A_47 = arith.constant 0 : index
      %get3A_48 = vector.load %arg4[%get3A_46, %get3A_47] : memref<8x128xf32, #tpu.memory_space<vmem>>, vector<8x1xf32>
      %swap3A_49 = arith.constant 0 : index
      %swap3A_50 = arith.constant 0 : index
      %swap3A_51 = vector.load %arg3[%swap3A_49, %swap3A_50] : memref<8x1xf32, #tpu.memory_space<vmem>>, vector<8x1xf32>
      tpu.vector_store %arg3[%swap3A_49, %swap3A_50], %get3A_48 {strides = array<i32>} : memref<8x1xf32, #tpu.memory_space<vmem>>, vector<8x1xf32>,
    } else {
    }
    return
  }
  func.func @transform_0(%arg0: i32) -> (i32, i32) {
    %c0_i32 = arith.constant 0 : i32
    %c0_i32_0 = arith.constant 0 : i32
    return %c0_i32, %arg0 : i32, i32
  }
  func.func @transform_1(%arg0: i32) -> (i32, i32, i32) {
    %c0_i32 = arith.constant 0 : i32
    %c0_i32_0 = arith.constant 0 : i32
    %c0_i32_1 = arith.constant 0 : i32
    return %arg0, %c0_i32, %c0_i32_0 : i32, i32, i32
  }
  func.func @transform_2(%arg0: i32) -> (i32, i32) {
    %c0_i32 = arith.constant 0 : i32
    %c0_i32_0 = arith.constant 0 : i32
    %c0_i32_1 = arith.constant 0 : i32
    return %c0_i32, %c0_i32_0 : i32, i32
  }
}

module attributes {stable_mosaic.version = 14 : i64} {
  func.func @_gmm_kernel(%arg0: i32, %arg1: i32, %arg2: memref<8xi32, #tpu.memory_space<smem>>, %arg3: memref<256x1024xf32, #tpu.memory_space<vmem>>, %arg4: memref<1x1024x1024xbf16, #tpu.memory_space<vmem>>, %arg5: memref<1x1x1024xf32, #tpu.memory_space<vmem>>, %arg6: memref<256x1024xf32, #tpu.memory_space<vmem>>) attributes {dimension_semantics = [#tpu.dimension_semantics<arbitrary>, #tpu.dimension_semantics<arbitrary>], iteration_bounds = array<i64: 8, 16>, scalar_prefetch = 1 : i64, scratch_operands = 0 : i64, tpu.core_type = #tpu.core_type<tc>, window_params = [{transform_indices = @transform_0, window_bounds = array<i64: 256, 1024>}, {transform_indices = @transform_1, window_bounds = array<i64: 1, 1024, 1024>}, {transform_indices = @transform_2, window_bounds = array<i64: 1, 1, 1024>}, {transform_indices = @transform_3, window_bounds = array<i64: 256, 1024>}]} {
    %mul3A = arith.constant 256 : i32
    %mul3A_0 = arith.muli %arg1, %mul3A : i32
    %get3A = arith.index_cast %arg0 : i32 to index
    %get3A_1 = memref.load %arg2[%get3A] : memref<8xi32, #tpu.memory_space<smem>>
    %lt3A = arith.cmpi slt, %mul3A_0, %get3A_1 : i32
    %convert_element_type3A = arith.extui %lt3A : i1 to i32
    %cond3A = arith.constant 0 : i32
    %cond3A_2 = arith.cmpi ne, %convert_element_type3A, %cond3A : i32
    scf.if %cond3A_2 {
      %get3A_3 = arith.constant 0 : index
      %get3A_4 = arith.constant 0 : index
      %get3A_5 = vector.load %arg3[%get3A_3, %get3A_4] : memref<256x1024xf32, #tpu.memory_space<vmem>>, vector<256x1024xf32>
      %convert_element_type3A_6 = arith.truncf %get3A_5 : vector<256x1024xf32> to vector<256x1024xbf16>
      %get3A_7 = arith.constant 0 : index
      %get3A_8 = arith.constant 0 : index
      %get3A_9 = arith.constant 0 : index
      %get3A_10 = vector.load %arg4[%get3A_7, %get3A_8, %get3A_9] : memref<1x1024x1024xbf16, #tpu.memory_space<vmem>>, vector<1x1024x1024xbf16>
      %get3A_11 = vector.shape_cast %get3A_10 : vector<1x1024x1024xbf16> to vector<1024x1024xbf16>
      %dot_general3A = arith.constant dense<0.000000e+00> : vector<256x1024xf32>
      %dot_general3A_12 = tpu.matmul %convert_element_type3A_6, %get3A_11, %dot_general3A {dimension_numbers = #tpu.dot_dimension_numbers<[1], [0], [0], [1], [0, 0, 1, 1], [], []>, transpose_lhs_hint = false} : vector<256x1024xbf16>, vector<1024x1024xbf16>, vector<256x1024xf32> -> vector<256x1024xf32>
      %get3A_13 = arith.constant 0 : index
      %get3A_14 = arith.constant 0 : index
      %get3A_15 = arith.constant 0 : index
      %get3A_16 = vector.load %arg5[%get3A_13, %get3A_14, %get3A_15] : memref<1x1x1024xf32, #tpu.memory_space<vmem>>, vector<1x1x1024xf32>
      %get3A_17 = vector.shape_cast %get3A_16 : vector<1x1x1024xf32> to vector<1x1024xf32>
      %add3A = vector.broadcast %get3A_17 : vector<1x1024xf32> to vector<256x1024xf32>
      %add3A_18 = arith.addf %dot_general3A_12, %add3A : vector<256x1024xf32>
      %swap3A = arith.constant 0 : index
      %swap3A_19 = arith.constant 0 : index
      %swap3A_20 = vector.load %arg6[%swap3A, %swap3A_19] : memref<256x1024xf32, #tpu.memory_space<vmem>>, vector<256x1024xf32>
      tpu.vector_store %arg6[%swap3A, %swap3A_19], %add3A_18 {strides = array<i32>} : memref<256x1024xf32, #tpu.memory_space<vmem>>, vector<256x1024xf32>,
    } else {
    }
    return
  }
  func.func @transform_0(%arg0: i32, %arg1: i32, %arg2: memref<8xi32, #tpu.memory_space<smem>>) -> (i32, i32) {
    %mul3A = arith.constant 256 : i32
    %mul3A_0 = arith.muli %arg1, %mul3A : i32
    %get3A = arith.index_cast %arg0 : i32 to index
    %get3A_1 = memref.load %arg2[%get3A] : memref<8xi32, #tpu.memory_space<smem>>
    %lt3A = arith.cmpi slt, %mul3A_0, %get3A_1 : i32
    %mul3A_2 = arith.constant 16 : i32
    %mul3A_3 = arith.muli %arg0, %mul3A_2 : i32
    %add3A = arith.addi %mul3A_3, %arg1 : i32
    %jit3A = arith.constant 0 : i32
    %select_n3A = arith.select %lt3A, %add3A, %jit3A : i32
    %c0_i32 = arith.constant 0 : i32
    %c0_i32_4 = arith.constant 0 : i32
    return %select_n3A, %c0_i32 : i32, i32
  }
  func.func @transform_1(%arg0: i32, %arg1: i32, %arg2: memref<8xi32, #tpu.memory_space<smem>>) -> (i32, i32, i32) {
    %c0_i32 = arith.constant 0 : i32
    %c0_i32_0 = arith.constant 0 : i32
    %c0_i32_1 = arith.constant 0 : i32
    return %arg0, %c0_i32, %c0_i32_0 : i32, i32, i32
  }
  func.func @transform_2(%arg0: i32, %arg1: i32, %arg2: memref<8xi32, #tpu.memory_space<smem>>) -> (i32, i32, i32) {
    %c0_i32 = arith.constant 0 : i32
    %c0_i32_0 = arith.constant 0 : i32
    %c0_i32_1 = arith.constant 0 : i32
    return %arg0, %c0_i32, %c0_i32_0 : i32, i32, i32
  }
  func.func @transform_3(%arg0: i32, %arg1: i32, %arg2: memref<8xi32, #tpu.memory_space<smem>>) -> (i32, i32) {
    %mul3A = arith.constant 256 : i32
    %mul3A_0 = arith.muli %arg1, %mul3A : i32
    %get3A = arith.index_cast %arg0 : i32 to index
    %get3A_1 = memref.load %arg2[%get3A] : memref<8xi32, #tpu.memory_space<smem>>
    %lt3A = arith.cmpi slt, %mul3A_0, %get3A_1 : i32
    %mul3A_2 = arith.constant 16 : i32
    %mul3A_3 = arith.muli %arg0, %mul3A_2 : i32
    %add3A = arith.addi %mul3A_3, %arg1 : i32
    %jit3A = arith.constant 128 : i32
    %select_n3A = arith.select %lt3A, %add3A, %jit3A : i32
    %c0_i32 = arith.constant 0 : i32
    %c0_i32_4 = arith.constant 0 : i32
    return %select_n3A, %c0_i32 : i32, i32
  }
}

module attributes {stable_mosaic.version = 14 : i64} {
  func.func @_final_kernel(%arg0: i32, %arg1: memref<512x1024xf32, #tpu.memory_space<vmem>>, %arg2: memref<512x1024xf32, #tpu.memory_space<vmem>>, %arg3: memref<512x1024xf32, #tpu.memory_space<vmem>>, %arg4: memref<512x1xf32, #tpu.memory_space<vmem>>, %arg5: memref<512x1xf32, #tpu.memory_space<vmem>>, %arg6: memref<1x1024xf32, #tpu.memory_space<vmem>>, %arg7: memref<1x1024xf32, #tpu.memory_space<vmem>>, %arg8: memref<512x1024xf32, #tpu.memory_space<vmem>>) attributes {dimension_semantics = [#tpu.dimension_semantics<arbitrary>], iteration_bounds = array<i64: 8>, scalar_prefetch = 0 : i64, scratch_operands = 0 : i64, tpu.core_type = #tpu.core_type<tc>, window_params = [{transform_indices = @transform_0, window_bounds = array<i64: 512, 1024>}, {transform_indices = @transform_1, window_bounds = array<i64: 512, 1024>}, {transform_indices = @transform_2, window_bounds = array<i64: 512, 1024>}, {transform_indices = @transform_3, window_bounds = array<i64: 512, 1>}, {transform_indices = @transform_4, window_bounds = array<i64: 512, 1>}, {pipeline_mode = #tpu.pipeline_mode<synchronous>, transform_indices = @transform_5, window_bounds = array<i64: 1, 1024>}, {pipeline_mode = #tpu.pipeline_mode<synchronous>, transform_indices = @transform_6, window_bounds = array<i64: 1, 1024>}, {transform_indices = @transform_7, window_bounds = array<i64: 512, 1024>}]} {
    %get3A = arith.constant 0 : index
    %get3A_0 = arith.constant 0 : index
    %get3A_1 = vector.load %arg1[%get3A, %get3A_0] : memref<512x1024xf32, #tpu.memory_space<vmem>>, vector<512x1024xf32>
    %get3A_2 = arith.constant 0 : index
    %get3A_3 = arith.constant 0 : index
    %get3A_4 = vector.load %arg4[%get3A_2, %get3A_3] : memref<512x1xf32, #tpu.memory_space<vmem>>, vector<512x1xf32>
    %get3A_5 = arith.constant 0 : index
    %get3A_6 = arith.constant 0 : index
    %get3A_7 = vector.load %arg2[%get3A_5, %get3A_6] : memref<512x1024xf32, #tpu.memory_space<vmem>>, vector<512x1024xf32>
    %mul3A = vector.broadcast %get3A_4 : vector<512x1xf32> to vector<512x1024xf32>
    %mul3A_8 = arith.mulf %mul3A, %get3A_7 : vector<512x1024xf32>
    %add3A = arith.addf %get3A_1, %mul3A_8 : vector<512x1024xf32>
    %get3A_9 = arith.constant 0 : index
    %get3A_10 = arith.constant 0 : index
    %get3A_11 = vector.load %arg5[%get3A_9, %get3A_10] : memref<512x1xf32, #tpu.memory_space<vmem>>, vector<512x1xf32>
    %get3A_12 = arith.constant 0 : index
    %get3A_13 = arith.constant 0 : index
    %get3A_14 = vector.load %arg3[%get3A_12, %get3A_13] : memref<512x1024xf32, #tpu.memory_space<vmem>>, vector<512x1024xf32>
    %mul3A_15 = vector.broadcast %get3A_11 : vector<512x1xf32> to vector<512x1024xf32>
    %mul3A_16 = arith.mulf %mul3A_15, %get3A_14 : vector<512x1024xf32>
    %add3A_17 = arith.addf %add3A, %mul3A_16 : vector<512x1024xf32>
    %reduce_sum3A = arith.constant dense<0.000000e+00> : vector<512xf32>
    %reduce_sum3A_18 = vector.multi_reduction <add>, %add3A_17, %reduce_sum3A [1] : vector<512x1024xf32> to vector<512xf32>
    %broadcast_in_dim3A = vector.shape_cast %reduce_sum3A_18 : vector<512xf32> to vector<512x1xf32>
    %div3A = arith.constant 1.024000e+03 : f32
    %div3A_19 = vector.broadcast %div3A : f32 to vector<512x1xf32>
    %div3A_20 = arith.divf %broadcast_in_dim3A, %div3A_19 : vector<512x1xf32>
    %sub3A = vector.broadcast %div3A_20 : vector<512x1xf32> to vector<512x1024xf32>
    %sub3A_21 = arith.subf %add3A_17, %sub3A : vector<512x1024xf32>
    %mul3A_22 = arith.mulf %sub3A_21, %sub3A_21 : vector<512x1024xf32>
    %reduce_sum3A_23 = arith.constant dense<0.000000e+00> : vector<512xf32>
    %reduce_sum3A_24 = vector.multi_reduction <add>, %mul3A_22, %reduce_sum3A_23 [1] : vector<512x1024xf32> to vector<512xf32>
    %broadcast_in_dim3A_25 = vector.shape_cast %reduce_sum3A_24 : vector<512xf32> to vector<512x1xf32>
    %div3A_26 = arith.constant 1.024000e+03 : f32
    %div3A_27 = vector.broadcast %div3A_26 : f32 to vector<512x1xf32>
    %div3A_28 = arith.divf %broadcast_in_dim3A_25, %div3A_27 : vector<512x1xf32>
    %add3A_29 = arith.constant 9.99999974E-6 : f32
    %add3A_30 = vector.broadcast %add3A_29 : f32 to vector<512x1xf32>
    %add3A_31 = arith.addf %div3A_28, %add3A_30 : vector<512x1xf32>
    %sqrt3A = math.sqrt %add3A_31 : vector<512x1xf32>
    %div3A_32 = vector.broadcast %sqrt3A : vector<512x1xf32> to vector<512x1024xf32>
    %div3A_33 = arith.divf %sub3A_21, %div3A_32 : vector<512x1024xf32>
    %get3A_34 = arith.constant 0 : index
    %get3A_35 = arith.constant 0 : index
    %get3A_36 = vector.load %arg6[%get3A_34, %get3A_35] : memref<1x1024xf32, #tpu.memory_space<vmem>>, vector<1x1024xf32>
    %get3A_37 = vector.shape_cast %get3A_36 : vector<1x1024xf32> to vector<1024xf32>
    %broadcast_in_dim3A_38 = vector.shape_cast %get3A_37 : vector<1024xf32> to vector<1x1024xf32>
    %mul3A_39 = vector.broadcast %broadcast_in_dim3A_38 : vector<1x1024xf32> to vector<512x1024xf32>
    %mul3A_40 = arith.mulf %div3A_33, %mul3A_39 : vector<512x1024xf32>
    %get3A_41 = arith.constant 0 : index
    %get3A_42 = arith.constant 0 : index
    %get3A_43 = vector.load %arg7[%get3A_41, %get3A_42] : memref<1x1024xf32, #tpu.memory_space<vmem>>, vector<1x1024xf32>
    %get3A_44 = vector.shape_cast %get3A_43 : vector<1x1024xf32> to vector<1024xf32>
    %broadcast_in_dim3A_45 = vector.shape_cast %get3A_44 : vector<1024xf32> to vector<1x1024xf32>
    %add3A_46 = vector.broadcast %broadcast_in_dim3A_45 : vector<1x1024xf32> to vector<512x1024xf32>
    %add3A_47 = arith.addf %mul3A_40, %add3A_46 : vector<512x1024xf32>
    %swap3A = arith.constant 0 : index
    %swap3A_48 = arith.constant 0 : index
    %swap3A_49 = vector.load %arg8[%swap3A, %swap3A_48] : memref<512x1024xf32, #tpu.memory_space<vmem>>, vector<512x1024xf32>
    tpu.vector_store %arg8[%swap3A, %swap3A_48], %add3A_47 {strides = array<i32>} : memref<512x1024xf32, #tpu.memory_space<vmem>>, vector<512x1024xf32>,
    return
  }
  func.func @transform_0(%arg0: i32) -> (i32, i32) {
    %c0_i32 = arith.constant 0 : i32
    %c0_i32_0 = arith.constant 0 : i32
    return %arg0, %c0_i32 : i32, i32
  }
  func.func @transform_1(%arg0: i32) -> (i32, i32) {
    %c0_i32 = arith.constant 0 : i32
    %c0_i32_0 = arith.constant 0 : i32
    return %arg0, %c0_i32 : i32, i32
  }
  func.func @transform_2(%arg0: i32) -> (i32, i32) {
    %c0_i32 = arith.constant 0 : i32
    %c0_i32_0 = arith.constant 0 : i32
    return %arg0, %c0_i32 : i32, i32
  }
  func.func @transform_3(%arg0: i32) -> (i32, i32) {
    %c0_i32 = arith.constant 0 : i32
    %c0_i32_0 = arith.constant 0 : i32
    return %arg0, %c0_i32 : i32, i32
  }
  func.func @transform_4(%arg0: i32) -> (i32, i32) {
    %c0_i32 = arith.constant 0 : i32
    %c0_i32_0 = arith.constant 0 : i32
    return %arg0, %c0_i32 : i32, i32
  }
  func.func @transform_5(%arg0: i32) -> (i32, i32) {
    %c0_i32 = arith.constant 0 : i32
    %c0_i32_0 = arith.constant 0 : i32
    %c0_i32_1 = arith.constant 0 : i32
    return %c0_i32, %c0_i32_0 : i32, i32
  }
  func.func @transform_6(%arg0: i32) -> (i32, i32) {
    %c0_i32 = arith.constant 0 : i32
    %c0_i32_0 = arith.constant 0 : i32
    %c0_i32_1 = arith.constant 0 : i32
    return %c0_i32, %c0_i32_0 : i32, i32
  }
  func.func @transform_7(%arg0: i32) -> (i32, i32) {
    %c0_i32 = arith.constant 0 : i32
    %c0_i32_0 = arith.constant 0 : i32
    return %arg0, %c0_i32 : i32, i32
  }
}

</mosaic_0001>

<sc_bundles>
// kernel: kernel.10.cloned.1.call-start
scs
__scs_entry_jumppad:
0x0: {  	(pc) =	sbr.rel $0x88, $3  }
0x1: {  	(tag) =	ssettag $0x0;
	lr =	simm.s32 $0x1  }
0x2: {  	[smem:$0x3F94] =	sst lr;
	_ =	strace $0xD0000000  }
0x3: {  	_ = 	snop  }
0x4: {  	_ = 	snop  }
0x5: {  	_ = 	snop  }
0x6: {  	_ = 	snop  }
0x7: {  	_ = 	snop  }
__scs_overlays_trampoline_lowered:
0x8: {  	[smem:$0x3FA3] =	sst s0  }
0x9: {  	[smem:$0x3FA4] =	sst s1  }
0xa: {  	[smem:$0x3FA5] =	sst s2  }
0xb: {  	[smem:$0x3FA6] =	sst s3  }
0xc: {  	[smem:$0x3FA7] =	sst s4  }
0xd: {  	[smem:$0x3FA8] =	sst s5  }
0xe: {  	[smem:$0x3FA9] =	sst s6  }
0xf: {  	[smem:$0x3FAA] =	sst s7  }
0x10: {  	[smem:$0x3FAB] =	sst s8  }
0x11: {  	[smem:$0x3FAC] =	sst s9;
	s0 =	simm.s32 @!p0 $0x0  }
0x12: {  	s1 =	sld [smem:$0x3F92];
	s0 =	simm.s32 @p0 $0x1  }
0x13: {  	[smem:$0x3FAD] =	sst s0;
	s0 =	simm.s32 @!p1 $0x0  }
0x14: {  	s2 =	sld [smem:$0x3F91];
	s0 =	simm.s32 @p1 $0x1  }
0x15: {  	[smem:$0x3FAE] =	sst s0;
	s0 =	simm.s32 @!p2 $0x0  }
0x16: {  	s3 =	sld [smem:$0x3FDB];
	s0 =	simm.s32 @p2 $0x1  }
0x17: {  	s4 =	simm.s32 $0x1BF5;
	[smem:$0x3FB0] =	sst s0  }
0x18: {  	s0 =	sld [smem:$0x3F93];
	_ =	swait.ge [sflag:s4], $0x0  }
0x19: {  	s7 =	sld [smem:$0x3F94]  }
0x1a: {  	s8 =	sadd.s32 $0xFFFFE003, lr  }
0x1b: {  	s9 =	sadd.s32 $0xFFFFFEF7, lr;
	s5 =	simm.s32 $0xFFFFFFFF;
	p2 =	slt.u32 s8, $0xFFFFF086  }
0x1c: {  	p1 =	slt.u32 s9, $0xF7A;
	s5 =	simm.s32 @!p2 $0x0  }
0x1d: {  	s5 =	simm.s32 @p1 $0x1;
	p0 =	seq.s32 s7, s2  }
0x1e: {  	s7 =	smul.u32 @!p0 $0xF7A, s2;
	p2 =	seq.s32 @!p0 s5, $0x0  }
0x1f: {  	s9 =	smul.u32 $0xF7A, s1;
	s8 =	simm.s32 @!p0 $0x1BF5;
	p2 =	por !p2, p0  }
0x20: {  	[sflag:s8] =	ssyncset.s32 @!p0 $0xFFFFF086;
	s6 =	sadd.s32 @!p0 s3, s7;
	s7 =	simm.s32 @!p0 $0x108  }
0x21: {  	s3 =	sadd.s32 s3, s9;
	s6 =	sadd.s32 @!p0 $0x88, s6;
	s7 =	simm.s32 @p2 $0x1082  }
0x22: {  	[simem:s7], [sflag:s8] =	dma.local @!p0 [hbm:s6], $0xF7A  }
0x23: {  	s9 =	sor.u32 $0xD0000000, s2;
	s6 =	simm.s32 $0x108;
	_ =	swait.ge @!p0 [sflag:s8], $0x0  }
0x24: {  	s3 =	sadd.s32 $0x88, s3;
	s6 =	simm.s32 @!p1 $0x1082;
	[sflag:s4] =	ssyncset.s32 $0xFFFFF086  }
0x25: {  	[simem:s6], [sflag:s4] =	dma.local [hbm:s3], $0xF7A  }
0x26: {  	[smem:$0x3F94] =	sst s1;
	(tag) =	ssettag s2;
	_ =	strace s9  }
0x27: {  	s1 =	sld [smem:$0x3FA4]  }
0x28: {  	s2 =	sld [smem:$0x3FA5]  }
0x29: {  	s4 =	sld [smem:$0x3FA7]  }
0x2a: {  	p0 =	seq.s32 s5, $0x0;
	s5 =	sld [smem:$0x3FA8]  }
0x2b: {  	s6 =	sld [smem:$0x3FA9]  }
0x2c: {  	s7 =	sld [smem:$0x3FAA]  }
0x2d: {  	s3 =	simm.s32 $0x108;
	s8 =	sld [smem:$0x3FAB]  }
0x2e: {  	s3 =	simm.s32 @!p0 $0x1082;
	s9 =	sld [smem:$0x3FAC]  }
0x2f: {  	lr =	sadd.s32 s0, s3;
	s0 =	sld [smem:$0x3FA3]  }
0x30: {  	s3 =	sld [smem:$0x3FA6]  }
0x31: {  	[smem:$0x3FAF] =	sst s10  }
0x32: {  	s10 =	sld [smem:$0x3FAD];
	_ =	sdelay $0x3  }
0x33: {  	p0 =	seq.s32 s10, $0x1;
	s10 =	sld [smem:$0x3FAF];
	_ =	sdelay $0x3  }
0x34: {  	[smem:$0x3FAF] =	sst s10  }
0x35: {  	s10 =	sld [smem:$0x3FAE];
	_ =	sdelay $0x3  }
0x36: {  	p1 =	seq.s32 s10, $0x1;
	s10 =	sld [smem:$0x3FAF];
	_ =	sdelay $0x3  }
0x37: {  	[smem:$0x3FAF] =	sst s10  }
0x38: {  	s10 =	sld [smem:$0x3FB0]  }
0x39: {  	_ = 	snop;
	(pc) =	sbr.ind lr, $3  }
0x3a: {  	_ = 	snop  }
0x3b: {  	_ = 	snop  }
0x3c: {  	p2 =	seq.s32 s10, $0x1;
	s10 =	sld [smem:$0x3FAF]  }
0x3d: {  	_ =	shalt  }
0x3e: {  	_ =	shalt  }
0x3f: {  	_ =	shalt  }
0x40: {  	_ =	shalt  }
0x41: {  	_ =	shalt  }
0x42: {  	_ =	shalt  }
0x43: {  	_ =	shalt  }
0x44: {  	_ =	shalt  }
0x45: {  	_ =	shalt  }
0x46: {  	_ =	shalt  }
0x47: {  	_ =	shalt  }
0x48: {  	_ =	shalt  }
0x49: {  	_ =	shalt  }
0x4a: {  	_ =	shalt  }
0x4b: {  	_ =	shalt  }
0x4c: {  	_ =	shalt  }
0x4d: {  	_ =	shalt  }
0x4e: {  	_ =	shalt  }
0x4f: {  	_ =	shalt  }
0x50: {  	_ =	shalt  }
0x51: {  	_ =	shalt  }
0x52: {  	_ =	shalt  }
0x53: {  	_ =	shalt  }
0x54: {  	_ =	shalt  }
0x55: {  	_ =	shalt  }
0x56: {  	_ =	shalt  }
0x57: {  	_ =	shalt  }
0x58: {  	_ =	shalt  }
0x59: {  	_ =	shalt  }
0x5a: {  	_ =	shalt  }
0x5b: {  	_ =	shalt  }
0x5c: {  	_ =	shalt  }
0x5d: {  	_ =	shalt  }
0x5e: {  	_ =	shalt  }
0x5f: {  	_ =	shalt  }
0x60: {  	_ =	shalt  }
0x61: {  	_ =	shalt  }
0x62: {  	_ =	shalt  }
0x63: {  	_ =	shalt  }
0x64: {  	_ =	shalt  }
0x65: {  	_ =	shalt  }
0x66: {  	_ =	shalt  }
0x67: {  	_ =	shalt  }
0x68: {  	_ =	shalt  }
0x69: {  	_ =	shalt  }
0x6a: {  	_ =	shalt  }
0x6b: {  	_ =	shalt  }
0x6c: {  	_ =	shalt  }
0x6d: {  	_ =	shalt  }
0x6e: {  	_ =	shalt  }
0x6f: {  	_ =	shalt  }
0x70: {  	_ =	shalt  }
0x71: {  	_ =	shalt  }
0x72: {  	_ =	shalt  }
0x73: {  	_ =	shalt  }
0x74: {  	_ =	shalt  }
0x75: {  	_ =	shalt  }
0x76: {  	_ =	shalt  }
0x77: {  	_ =	shalt  }
0x78: {  	_ =	shalt  }
0x79: {  	_ =	shalt  }
0x7a: {  	_ =	shalt  }
0x7b: {  	_ =	shalt  }
0x7c: {  	_ =	shalt  }
0x7d: {  	_ =	shalt  }
0x7e: {  	_ =	shalt  }
0x7f: {  	_ =	shalt  }
0x80: {  	_ =	shalt  }
0x81: {  	_ =	shalt  }
0x82: {  	_ =	shalt  }
0x83: {  	_ =	shalt  }
0x84: {  	_ =	shalt  }
0x85: {  	_ =	shalt  }
0x86: {  	_ =	shalt  }
0x87: {  	_ =	shalt  }
.Lfunc_end0:
.L_simem_size_0:
called_computation_lowered:
.L_overlay_start_0:
0x88: {  	s2 =	sld [smem:$0x3FD9]  }
0x89: {  	s3 =	sld [smem:$0x3FFE];
	_ =	sdelay $0x1  }
0x8a: {  	s1 =	srdreg.scid  }
0x8b: {  	s0 =	sand.u32 $0x1, s1  }
0x8c: {  	s14 =	sshll.u32 s0, $0xA;
	s2 =	sadd.s32 s3, s2  }
0x8d: {  	s2 =	sadd.s32 s2, s14  }
0x8e: {  	[smem:$0x3FBB] =	sst s2  }
0x8f: {  	_ = 	snop  }
0x90: {  	s2 =	sld [smem:$0x3FD0];
	_ =	sdelay $0x2  }
0x91: {  	s15 =	simm.s32 $0xA;
	s4 =	simm.s32 $0x10  }
0x92: {  	[smem:s4], [sflag:s15] =	dma.local [hbm:s2], $0x1  }
0x93: {  	_ =	swait.eq [sflag:s15], $0x1  }
0x94: {  	[sflag:s15] =	ssyncset.done $0x0  }
0x95: {  	[sflag:s15] =	ssyncadd.s32 $0xFFFFFFFF  }
0x96: {  	s16 =	sld [smem:$0x10];
	(tm) =	ssettm $0x1  }
0x97: {  	s17 =	sld [smem:$0x3FFB];
	_ =	sdelay $0x3  }
0x98: {  	_ =	strace s17  }
0x99: {  	s3 =	sld [smem:$0x3FFC];
	_ =	sdelay $0x3  }
0x9a: {  	_ =	strace s3  }
0x9b: {  	s3 =	sld [smem:$0x3FFD];
	_ =	sdelay $0x3  }
0x9c: {  	_ =	strace s3  }
0x9d: {  	_ =	strace $0x8FFFFFFF  }
0x9e: {  	s18 =	sld [smem:$0x3FDB];
	_ =	sdelay $0x1  }
0x9f: {  	s19 =	simm.s32 $_scs_section_size  }
0xa0: {  	s5 =	simm.s32 $_size__tile_overlayer_lowered;
	s6 =	simm.s32 $_tile_overlayer_lowered  }
0xa1: {  	s22 =	simm.s32 $0x1BFF;
	s21 =	sshll.u32 s6, $0x1;
	s3 =	sadd.s32 s19, s18  }
0xa2: {  	s7 =	simm.s32 $0x0;
	s20 =	sshll.u32 s5, $0x1;
	s5 =	sadd.s32 s21, s3  }
0xa3: {  	[timem:s7], [sflag:s22] =	dma.local [hbm:s5], s20  }
0xa4: {  	_ =	swait.ge [sflag:s22], s20  }
0xa5: {  	s4 =	ssub.s32 $0x0, s20;
	[sflag:s22] =	ssyncset.done $0x0  }
0xa6: {  	[sflag:s22] =	ssyncadd.s32 s4;
	_ =	sdelay $0x1  }
0xa7: {  	s23 =	simm.s32 $0x1B8B  }
0xa8: {  	_ =	swait.ge [sflag:s23], $0x1  }
0xa9: {  	[sflag:s23] =	ssyncset.done $0x0  }
0xaa: {  	s25 =	simm.s32 $0x1B8E;
	s24 =	sld [smem:$0x3FFE];
	[sflag:s23] =	ssyncadd.s32 $0xFFFFFFFF  }
0xab: {  	s26 =	simm.s32 $execute0_lowered;
	[smem:$0x3FD2] =	sst s25  }
0xac: {  	s5 =	sshll.u32 s26, $0x1;
	_ =	strace $0x80000046;
	[dreg:$0x1] =	wrdreg $0xFFFFFFFF  }
0xad: {  	s28 =	simm.s32 $_size_execute0_lowered;
	s3 =	sadd.s32 s3, s5;
	[dreg:$0x0] =	wrdreg $0x0  }
0xae: {  	s5 =	sshll.u32 s28, $0x1;
	[dreg:$0x2] =	wrdreg s3  }
0xaf: {  	[dreg:$0x3] =	wrdreg s5  }
0xb0: {  	[dreg:$0x4] =	wrdreg $0xC0  }
0xb1: {  	_ =	task [dreg:s7], $0x5FFFF  }
0xb2: {  	[dreg:$0x1] =	wrdreg $0xFFFFFFFF  }
0xb3: {  	[dreg:$0x0] =	wrdreg $0x60  }
0xb4: {  	[dreg:$0x2] =	wrdreg s16  }
0xb5: {  	[dreg:$0x3] =	wrdreg s24  }
0xb6: {  	[dreg:$0x4] =	wrdreg $0x9  }
0xb7: {  	_ =	task.clear_ibuf [dreg:s7], $0x5FFFF;
	_ =	strace $0x90000046  }
0xb8: {  	s29 =	simm.s32 $0x9;
	_ =	strace $0x80000048  }
0xb9: {  	_ =	swait.ge [sflag:s29], $0x1  }
0xba: {  	[sflag:s29] =	ssyncadd.s32 $0xFFFFFFFF  }
0xbb: {  	_ =	strace $0x90000048  }
0xbc: {  	_ =	sfence  }
0xbd: {  	s30 =	sld [smem:$0x0];
	_ =	sdelay $0x2  }
0xbe: {  	s31 =	sshll.u32 s1, $0xD;
	s1 =	sshrl.u32 s1, $0x2  }
0xbf: {  	s3 =	sand.u32 $0x4000, s31;
	s1 =	sadd.s32 s1, s30  }
0xc0: {  	s0 =	sor.u32 s3, s0;
	s1 =	sshll.u32 s1, $0x11  }
0xc1: {  	s0 =	sor.u32 s1, s0  }
0xc2: {  	s0 =	sadd.s32 $0x8F2B, s0  }
0xc3: {  	[sflag:s0] =	ssyncadd.remote.s32 $0x1  }
0xc4: {  	_ =	sfence.sel $0xFFFF  }
0xc5: {  	[dreg:$0x0] =	wrdreg $0xFFFFFFFF;
	(pc) =	sbr.abs _section_cstart, $3  }
0xc6: {  	[dreg:$0x1] =	wrdreg $0xFFFFFFFF  }
0xc7: {  	_ =	task.clear_ibuf [dreg:s7], $0x2FFFF;
	_ =	strace $0x9FFFFFFF  }
0xc8: {  	(tm) =	ssettm $0x7FFFFFFF  }
0xc9: {  	_ =	shalt  }
tec
execute0_lowered:
.L_overlay_start_1:
0x0: {  	(tag) =	ssettag $0x1  }
0x1: {  	s0 =	rddreg [dreg:$0x0]  }
0x2: {  	s1 =	rddreg [dreg:$0x1];
	s2 =	simm.s32 $0x0;
	s3 =	srdreg.scid  }
0x3: {  	s5 =	stileid.u32;
	s19 =	simm.s32 $0x1;
	[smem:$0x7FF] =	sst s2  }
0x4: {  	s4 =	sand.u32 $0x1, s3;
	s23 =	sshll.u32 s5, $0x8;
	s6 =	sadd.s32 $0x34400, s1  }
0x5: {  	s7 =	sadd.s32 $0x34600, s1;
	s3 =	sadd.s32 $0x34800, s1;
	s24 =	sshll.u32 s4, $0x7  }
0x6: {  	_ =	strace $0x80000047;
	s4 =	ssub.s32 $0x2, s4;
	s5 =	sor.u32 s24, s23  }
0x7: {  	s9 =	sshrl.u32 s4, $0x1;
	s8 =	sshll.u32 s5, $0x7;
	s10 =	sshrl.u32 s5, $0x3  }
0x8: {  	s5 =	sor.u32 $0x40, s5;
	s29 =	ssub.s32 s4, s9;
	s8 =	sadd.s32 s0, s8  }
0x9: {  	s4 =	sadd.s32 $0x34900, s1;
	s25 =	sadd.s32 s6, s10;
	[dreg:$0x3] =	wrdreg s8  }
0xa: {  	s26 =	sadd.s32 s7, s10;
	s28 =	sshll.u32 s5, $0x7;
	[dreg:$0x4] =	wrdreg s25  }
0xb: {  	s5 =	sshrl.u32 s5, $0x3;
	[dreg:$0x5] =	wrdreg s26;
	s0 =	sadd.s32 s0, s28  }
0xc: {  	v2 =	vlaneseq.u32;
	s9 =	simm.s32 $0x2;
	s30 =	sadd.s32 s6, s5;
	[dreg:$0x6] =	wrdreg s0  }
0xd: {  	vm0 =	vmmov $0xffff;
	v1 =	vshrl.u32 v2, $0x3;
	s31 =	sadd.s32 s7, s5;
	s5 =	sadd.s32 $0x34A00, s1;
	[dreg:$0x7] =	wrdreg s30  }
0xe: {  	v0 =	vand.u32 $0x7, v2;
	v2 =	vor.u32 $0x8, v2;
	v1 =	vmul.u32 $0x8, v1;
	s6 =	sadd.s32 $0x34B00, s1;
	s7 =	smax.u32 s29, $0x1;
	[dreg:$0x8] =	wrdreg s31  }
.LBB2_1:
0xf: {  	s20 =	rddreg [dreg:$0x3];
	s13 =	simm.s32 $0x100  }
0x10: {  	[tilespmem:s13], [sflag:$0x2] =	stream.linear.gather [hbm4b:s20+s2], $0x10000, $0x38;
	[tilespmem:$0x10100] =	vst v63  }
0x11: {  	_ =	swait.ge [sflag:s9], $0x10000  }
0x12: {  	[sflag:s9] =	ssyncset.done $0x0  }
0x13: {  	s22 =	rddreg [dreg:$0x4];
	[sflag:s9] =	ssyncadd.s32 $0xFFFF0000  }
0x14: {  	[tilespmem:s2], [sflag:$0x2] =	stream.linear.gather [hbm4b:s22+s2], $0x40, $0x38;
	[tilespmem:$0x10100] =	vst v63  }
0x15: {  	_ =	swait.ge [sflag:s9], $0x40  }
0x16: {  	[sflag:s9] =	ssyncset.done $0x0  }
0x17: {  	s0 =	simm.s32 $0x80;
	s23 =	rddreg [dreg:$0x5];
	[sflag:s9] =	ssyncadd.s32 $0xFFFFFFC0  }
0x18: {  	[tilespmem:s0], [sflag:$0x2] =	stream.linear.gather [hbm4b:s23+s2], $0x40, $0x38;
	[tilespmem:$0x10100] =	vst v63  }
0x19: {  	_ =	swait.ge [sflag:s9], $0x40  }
0x1a: {  	[sflag:s9] =	ssyncset.done $0x0  }
0x1b: {  	[sflag:s9] =	ssyncadd.s32 $0xFFFFFFC0  }
0x1c: {  	v3 =	vld [tilespmem:$0x0];
	_ =	sdelay $0x4  }
0x1d: {  	v4 =	vshll.u32 v3, $0x3  }
0x1e: {  	v3 =	vand.u32 $0x7, v3;
	v4 =	vand.u32 $0xFFFFFFC0, v4  }
0x1f: {  	v3 =	vor.u32 v3, v4  }
0x20: {  	v4 =	vperm.xlane v3, v0;
	_ =	sdelay $0x1  }
0x21: {  	v4 =	vadd.s32 v1, v4;
	_ =	sdelay $0x4  }
0x22: {  	[hbm4b:s3+s2] =	stream.indirect_vreg.scatter [tilespmem:s13], [sflag:$0x1], $0x80, v4, vm0, $0xb8;
	[tilespmem:$0x10100] =	vst v63  }
0x23: {  	s24 =	simm.s32 $0x900;
	v3 =	vperm.xlane v3, v2  }
0x24: {  	[hbm4b:s4+s2] =	stream.indirect_vreg.scatter [tilespmem:s24], [sflag:$0x1], $0x80, v4, vm0, $0xb8;
	[tilespmem:$0x10100] =	vst v63  }
0x25: {  	s25 =	simm.s32 $0x1100;
	v3 =	vadd.s32 v1, v3  }
0x26: {  	[hbm4b:s5+s2] =	stream.indirect_vreg.scatter [tilespmem:s25], [sflag:$0x1], $0x80, v4, vm0, $0xb8;
	[tilespmem:$0x10100] =	vst v63  }
0x27: {  	s26 =	simm.s32 $0x1900  }
0x28: {  	[hbm4b:s6+s2] =	stream.indirect_vreg.scatter [tilespmem:s26], [sflag:$0x1], $0x80, v4, vm0, $0xb8;
	[tilespmem:$0x10100] =	vst v63  }
0x29: {  	s28 =	simm.s32 $0x2100  }
0x2a: {  	[hbm4b:s3+s2] =	stream.indirect_vreg.scatter [tilespmem:s28], [sflag:$0x1], $0x80, v3, vm0, $0xb8;
	[tilespmem:$0x10100] =	vst v63  }
0x2b: {  	s29 =	simm.s32 $0x2900  }
0x2c: {  	[hbm4b:s4+s2] =	stream.indirect_vreg.scatter [tilespmem:s29], [sflag:$0x1], $0x80, v3, vm0, $0xb8;
	[tilespmem:$0x10100] =	vst v63  }
0x2d: {  	s30 =	simm.s32 $0x3100  }
0x2e: {  	[hbm4b:s5+s2] =	stream.indirect_vreg.scatter [tilespmem:s30], [sflag:$0x1], $0x80, v3, vm0, $0xb8;
	[tilespmem:$0x10100] =	vst v63  }
0x2f: {  	s31 =	simm.s32 $0x3900  }
0x30: {  	[hbm4b:s6+s2] =	stream.indirect_vreg.scatter [tilespmem:s31], [sflag:$0x1], $0x80, v3, vm0, $0xb8;
	[tilespmem:$0x10100] =	vst v63  }
0x31: {  	v3 =	vld [tilespmem:$0x10];
	_ =	sdelay $0x4  }
0x32: {  	v49 =	vshll.u32 v3, $0x3  }
0x33: {  	v3 =	vand.u32 $0x7, v3;
	v4 =	vand.u32 $0xFFFFFFC0, v49  }
0x34: {  	v3 =	vor.u32 v3, v4  }
0x35: {  	v4 =	vperm.xlane v3, v0;
	_ =	sdelay $0x1  }
0x36: {  	v4 =	vadd.s32 v1, v4;
	_ =	sdelay $0x3  }
0x37: {  	s1 =	simm.s32 $0x4100  }
0x38: {  	[hbm4b:s3+s2] =	stream.indirect_vreg.scatter [tilespmem:s1], [sflag:$0x1], $0x80, v4, vm0, $0xb8;
	[tilespmem:$0x10100] =	vst v63  }
0x39: {  	s8 =	simm.s32 $0x4900;
	v3 =	vperm.xlane v3, v2  }
0x3a: {  	[hbm4b:s4+s2] =	stream.indirect_vreg.scatter [tilespmem:s8], [sflag:$0x1], $0x80, v4, vm0, $0xb8;
	[tilespmem:$0x10100] =	vst v63  }
0x3b: {  	s10 =	simm.s32 $0x5100;
	v3 =	vadd.s32 v1, v3  }
0x3c: {  	[hbm4b:s5+s2] =	stream.indirect_vreg.scatter [tilespmem:s10], [sflag:$0x1], $0x80, v4, vm0, $0xb8;
	[tilespmem:$0x10100] =	vst v63  }
0x3d: {  	s1 =	simm.s32 $0x5900  }
0x3e: {  	[hbm4b:s6+s2] =	stream.indirect_vreg.scatter [tilespmem:s1], [sflag:$0x1], $0x80, v4, vm0, $0xb8;
	[tilespmem:$0x10100] =	vst v63  }
0x3f: {  	s11 =	simm.s32 $0x6100  }
0x40: {  	[hbm4b:s3+s2] =	stream.indirect_vreg.scatter [tilespmem:s11], [sflag:$0x1], $0x80, v3, vm0, $0xb8;
	[tilespmem:$0x10100] =	vst v63  }
0x41: {  	s12 =	simm.s32 $0x6900  }
0x42: {  	[hbm4b:s4+s2] =	stream.indirect_vreg.scatter [tilespmem:s12], [sflag:$0x1], $0x80, v3, vm0, $0xb8;
	[tilespmem:$0x10100] =	vst v63  }
0x43: {  	s14 =	simm.s32 $0x7100  }
0x44: {  	[hbm4b:s5+s2] =	stream.indirect_vreg.scatter [tilespmem:s14], [sflag:$0x1], $0x80, v3, vm0, $0xb8;
	[tilespmem:$0x10100] =	vst v63  }
0x45: {  	s15 =	simm.s32 $0x7900  }
0x46: {  	[hbm4b:s6+s2] =	stream.indirect_vreg.scatter [tilespmem:s15], [sflag:$0x1], $0x80, v3, vm0, $0xb8;
	[tilespmem:$0x10100] =	vst v63  }
0x47: {  	v3 =	vld [tilespmem:$0x20];
	_ =	sdelay $0x4  }
0x48: {  	v50 =	vshll.u32 v3, $0x3  }
0x49: {  	v3 =	vand.u32 $0x7, v3;
	v4 =	vand.u32 $0xFFFFFFC0, v50  }
0x4a: {  	v3 =	vor.u32 v3, v4  }
0x4b: {  	v4 =	vperm.xlane v3, v0;
	_ =	sdelay $0x1  }
0x4c: {  	v4 =	vadd.s32 v1, v4;
	_ =	sdelay $0x3  }
0x4d: {  	s20 =	simm.s32 $0x8100  }
0x4e: {  	[hbm4b:s3+s2] =	stream.indirect_vreg.scatter [tilespmem:s20], [sflag:$0x1], $0x80, v4, vm0, $0xb8;
	[tilespmem:$0x10100] =	vst v63  }
0x4f: {  	s22 =	simm.s32 $0x8900;
	v3 =	vperm.xlane v3, v2  }
0x50: {  	[hbm4b:s4+s2] =	stream.indirect_vreg.scatter [tilespmem:s22], [sflag:$0x1], $0x80, v4, vm0, $0xb8;
	[tilespmem:$0x10100] =	vst v63  }
0x51: {  	s23 =	simm.s32 $0x9100;
	v3 =	vadd.s32 v1, v3  }
0x52: {  	[hbm4b:s5+s2] =	stream.indirect_vreg.scatter [tilespmem:s23], [sflag:$0x1], $0x80, v4, vm0, $0xb8;
	[tilespmem:$0x10100] =	vst v63  }
0x53: {  	s31 =	simm.s32 $0x9900  }
0x54: {  	[hbm4b:s6+s2] =	stream.indirect_vreg.scatter [tilespmem:s31], [sflag:$0x1], $0x80, v4, vm0, $0xb8;
	[tilespmem:$0x10100] =	vst v63  }
0x55: {  	s1 =	simm.s32 $0xA100  }
0x56: {  	[hbm4b:s3+s2] =	stream.indirect_vreg.scatter [tilespmem:s1], [sflag:$0x1], $0x80, v3, vm0, $0xb8;
	[tilespmem:$0x10100] =	vst v63  }
0x57: {  	s8 =	simm.s32 $0xA900  }
0x58: {  	[hbm4b:s4+s2] =	stream.indirect_vreg.scatter [tilespmem:s8], [sflag:$0x1], $0x80, v3, vm0, $0xb8;
	[tilespmem:$0x10100] =	vst v63  }
0x59: {  	s10 =	simm.s32 $0xB100  }
0x5a: {  	[hbm4b:s5+s2] =	stream.indirect_vreg.scatter [tilespmem:s10], [sflag:$0x1], $0x80, v3, vm0, $0xb8;
	[tilespmem:$0x10100] =	vst v63  }
0x5b: {  	s11 =	simm.s32 $0xB900  }
0x5c: {  	[hbm4b:s6+s2] =	stream.indirect_vreg.scatter [tilespmem:s11], [sflag:$0x1], $0x80, v3, vm0, $0xb8;
	[tilespmem:$0x10100] =	vst v63  }
0x5d: {  	v3 =	vld [tilespmem:$0x30];
	_ =	sdelay $0x4  }
0x5e: {  	v51 =	vshll.u32 v3, $0x3  }
0x5f: {  	v3 =	vand.u32 $0x7, v3;
	v4 =	vand.u32 $0xFFFFFFC0, v51  }
0x60: {  	v3 =	vor.u32 v3, v4  }
0x61: {  	v4 =	vperm.xlane v3, v0;
	_ =	sdelay $0x1  }
0x62: {  	v4 =	vadd.s32 v1, v4;
	_ =	sdelay $0x3  }
0x63: {  	s31 =	simm.s32 $0xC100  }
0x64: {  	[hbm4b:s3+s2] =	stream.indirect_vreg.scatter [tilespmem:s31], [sflag:$0x1], $0x80, v4, vm0, $0xb8;
	[tilespmem:$0x10100] =	vst v63  }
0x65: {  	s0 =	simm.s32 $0xC900;
	v3 =	vperm.xlane v3, v2  }
0x66: {  	[hbm4b:s4+s2] =	stream.indirect_vreg.scatter [tilespmem:s0], [sflag:$0x1], $0x80, v4, vm0, $0xb8;
	[tilespmem:$0x10100] =	vst v63  }
0x67: {  	s1 =	simm.s32 $0xD100;
	v3 =	vadd.s32 v1, v3  }
0x68: {  	[hbm4b:s5+s2] =	stream.indirect_vreg.scatter [tilespmem:s1], [sflag:$0x1], $0x80, v4, vm0, $0xb8;
	[tilespmem:$0x10100] =	vst v63  }
0x69: {  	s31 =	simm.s32 $0xD900  }
0x6a: {  	[hbm4b:s6+s2] =	stream.indirect_vreg.scatter [tilespmem:s31], [sflag:$0x1], $0x80, v4, vm0, $0xb8;
	[tilespmem:$0x10100] =	vst v63  }
0x6b: {  	s0 =	simm.s32 $0xE100  }
0x6c: {  	[hbm4b:s3+s2] =	stream.indirect_vreg.scatter [tilespmem:s0], [sflag:$0x1], $0x80, v3, vm0, $0xb8;
	[tilespmem:$0x10100] =	vst v63  }
0x6d: {  	s1 =	simm.s32 $0xE900  }
0x6e: {  	[hbm4b:s4+s2] =	stream.indirect_vreg.scatter [tilespmem:s1], [sflag:$0x1], $0x80, v3, vm0, $0xb8;
	[tilespmem:$0x10100] =	vst v63  }
0x6f: {  	s0 =	simm.s32 $0xF100  }
0x70: {  	[hbm4b:s5+s2] =	stream.indirect_vreg.scatter [tilespmem:s0], [sflag:$0x1], $0x80, v3, vm0, $0xb8;
	[tilespmem:$0x10100] =	vst v63  }
0x71: {  	s1 =	simm.s32 $0xF900  }
0x72: {  	[hbm4b:s6+s2] =	stream.indirect_vreg.scatter [tilespmem:s1], [sflag:$0x1], $0x80, v3, vm0, $0xb8;
	[tilespmem:$0x10100] =	vst v63  }
0x73: {  	v3 =	vld [tilespmem:$0x80];
	_ =	sdelay $0x4  }
0x74: {  	v52 =	vshll.u32 v3, $0x3  }
0x75: {  	v3 =	vand.u32 $0x7, v3;
	v4 =	vand.u32 $0xFFFFFFC0, v52  }
0x76: {  	v3 =	vor.u32 v3, v4  }
0x77: {  	v4 =	vperm.xlane v3, v0;
	_ =	sdelay $0x1  }
0x78: {  	v4 =	vadd.s32 v1, v4;
	_ =	sdelay $0x4  }
0x79: {  	[hbm4b:s3+s2] =	stream.indirect_vreg.scatter [tilespmem:s13], [sflag:$0x1], $0x80, v4, vm0, $0xb8;
	[tilespmem:$0x10100] =	vst v63  }
0x7a: {  	s16 =	simm.s32 $0x900;
	v3 =	vperm.xlane v3, v2  }
0x7b: {  	[hbm4b:s4+s2] =	stream.indirect_vreg.scatter [tilespmem:s16], [sflag:$0x1], $0x80, v4, vm0, $0xb8;
	[tilespmem:$0x10100] =	vst v63  }
0x7c: {  	s25 =	simm.s32 $0x1100;
	v3 =	vadd.s32 v1, v3  }
0x7d: {  	[hbm4b:s5+s2] =	stream.indirect_vreg.scatter [tilespmem:s25], [sflag:$0x1], $0x80, v4, vm0, $0xb8;
	[tilespmem:$0x10100] =	vst v63  }
0x7e: {  	s26 =	simm.s32 $0x1900  }
0x7f: {  	[hbm4b:s6+s2] =	stream.indirect_vreg.scatter [tilespmem:s26], [sflag:$0x1], $0x80, v4, vm0, $0xb8;
	[tilespmem:$0x10100] =	vst v63  }
0x80: {  	s28 =	simm.s32 $0x2100  }
0x81: {  	[hbm4b:s3+s2] =	stream.indirect_vreg.scatter [tilespmem:s28], [sflag:$0x1], $0x80, v3, vm0, $0xb8;
	[tilespmem:$0x10100] =	vst v63  }
0x82: {  	s29 =	simm.s32 $0x2900  }
0x83: {  	[hbm4b:s4+s2] =	stream.indirect_vreg.scatter [tilespmem:s29], [sflag:$0x1], $0x80, v3, vm0, $0xb8;
	[tilespmem:$0x10100] =	vst v63  }
0x84: {  	s30 =	simm.s32 $0x3100  }
0x85: {  	[hbm4b:s5+s2] =	stream.indirect_vreg.scatter [tilespmem:s30], [sflag:$0x1], $0x80, v3, vm0, $0xb8;
	[tilespmem:$0x10100] =	vst v63  }
0x86: {  	s17 =	simm.s32 $0x3900  }
0x87: {  	[hbm4b:s6+s2] =	stream.indirect_vreg.scatter [tilespmem:s17], [sflag:$0x1], $0x80, v3, vm0, $0xb8;
	[tilespmem:$0x10100] =	vst v63  }
0x88: {  	v3 =	vld [tilespmem:$0x90];
	_ =	sdelay $0x4  }
0x89: {  	v53 =	vshll.u32 v3, $0x3  }
0x8a: {  	v3 =	vand.u32 $0x7, v3;
	v4 =	vand.u32 $0xFFFFFFC0, v53  }
0x8b: {  	v3 =	vor.u32 v3, v4  }
0x8c: {  	v4 =	vperm.xlane v3, v0;
	_ =	sdelay $0x1  }
0x8d: {  	v4 =	vadd.s32 v1, v4;
	_ =	sdelay $0x3  }
0x8e: {  	s18 =	simm.s32 $0x4100  }
0x8f: {  	[hbm4b:s3+s2] =	stream.indirect_vreg.scatter [tilespmem:s18], [sflag:$0x1], $0x80, v4, vm0, $0xb8;
	[tilespmem:$0x10100] =	vst v63  }
0x90: {  	s21 =	simm.s32 $0x4900;
	v3 =	vperm.xlane v3, v2  }
0x91: {  	[hbm4b:s4+s2] =	stream.indirect_vreg.scatter [tilespmem:s21], [sflag:$0x1], $0x80, v4, vm0, $0xb8;
	[tilespmem:$0x10100] =	vst v63  }
0x92: {  	s24 =	simm.s32 $0x5100;
	v3 =	vadd.s32 v1, v3  }
0x93: {  	[hbm4b:s5+s2] =	stream.indirect_vreg.scatter [tilespmem:s24], [sflag:$0x1], $0x80, v4, vm0, $0xb8;
	[tilespmem:$0x10100] =	vst v63  }
0x94: {  	s0 =	simm.s32 $0x5900  }
0x95: {  	[hbm4b:s6+s2] =	stream.indirect_vreg.scatter [tilespmem:s0], [sflag:$0x1], $0x80, v4, vm0, $0xb8;
	[tilespmem:$0x10100] =	vst v63  }
0x96: {  	s1 =	simm.s32 $0x6100  }
0x97: {  	[hbm4b:s3+s2] =	stream.indirect_vreg.scatter [tilespmem:s1], [sflag:$0x1], $0x80, v3, vm0, $0xb8;
	[tilespmem:$0x10100] =	vst v63  }
0x98: {  	s24 =	simm.s32 $0x6900  }
0x99: {  	[hbm4b:s4+s2] =	stream.indirect_vreg.scatter [tilespmem:s24], [sflag:$0x1], $0x80, v3, vm0, $0xb8;
	[tilespmem:$0x10100] =	vst v63  }
0x9a: {  	s30 =	simm.s32 $0x7100  }
0x9b: {  	[hbm4b:s5+s2] =	stream.indirect_vreg.scatter [tilespmem:s30], [sflag:$0x1], $0x80, v3, vm0, $0xb8;
	[tilespmem:$0x10100] =	vst v63  }
0x9c: {  	s12 =	simm.s32 $0x7900  }
0x9d: {  	[hbm4b:s6+s2] =	stream.indirect_vreg.scatter [tilespmem:s12], [sflag:$0x1], $0x80, v3, vm0, $0xb8;
	[tilespmem:$0x10100] =	vst v63  }
0x9e: {  	v3 =	vld [tilespmem:$0xA0];
	_ =	sdelay $0x4  }
0x9f: {  	v54 =	vshll.u32 v3, $0x3  }
0xa0: {  	v3 =	vand.u32 $0x7, v3;
	v4 =	vand.u32 $0xFFFFFFC0, v54  }
0xa1: {  	v3 =	vor.u32 v3, v4  }
0xa2: {  	v4 =	vperm.xlane v3, v0;
	_ =	sdelay $0x1  }
0xa3: {  	v4 =	vadd.s32 v1, v4;
	_ =	sdelay $0x3  }
0xa4: {  	s14 =	simm.s32 $0x8100  }
0xa5: {  	[hbm4b:s3+s2] =	stream.indirect_vreg.scatter [tilespmem:s14], [sflag:$0x1], $0x80, v4, vm0, $0xb8;
	[tilespmem:$0x10100] =	vst v63  }
0xa6: {  	s15 =	simm.s32 $0x8900;
	v3 =	vperm.xlane v3, v2  }
0xa7: {  	[hbm4b:s4+s2] =	stream.indirect_vreg.scatter [tilespmem:s15], [sflag:$0x1], $0x80, v4, vm0, $0xb8;
	[tilespmem:$0x10100] =	vst v63  }
0xa8: {  	v3 =	vadd.s32 v1, v3;
	s15 =	simm.s32 $0x9100  }
0xa9: {  	[hbm4b:s5+s2] =	stream.indirect_vreg.scatter [tilespmem:s15], [sflag:$0x1], $0x80, v4, vm0, $0xb8;
	[tilespmem:$0x10100] =	vst v63  }
0xaa: {  	s22 =	simm.s32 $0x9900  }
0xab: {  	[hbm4b:s6+s2] =	stream.indirect_vreg.scatter [tilespmem:s22], [sflag:$0x1], $0x80, v4, vm0, $0xb8;
	[tilespmem:$0x10100] =	vst v63  }
0xac: {  	s23 =	simm.s32 $0xA100  }
0xad: {  	[hbm4b:s3+s2] =	stream.indirect_vreg.scatter [tilespmem:s23], [sflag:$0x1], $0x80, v3, vm0, $0xb8;
	[tilespmem:$0x10100] =	vst v63  }
0xae: {  	s24 =	simm.s32 $0xA900  }
0xaf: {  	[hbm4b:s4+s2] =	stream.indirect_vreg.scatter [tilespmem:s24], [sflag:$0x1], $0x80, v3, vm0, $0xb8;
	[tilespmem:$0x10100] =	vst v63  }
0xb0: {  	s30 =	simm.s32 $0xB100  }
0xb1: {  	[hbm4b:s5+s2] =	stream.indirect_vreg.scatter [tilespmem:s30], [sflag:$0x1], $0x80, v3, vm0, $0xb8;
	[tilespmem:$0x10100] =	vst v63  }
0xb2: {  	s8 =	simm.s32 $0xB900  }
0xb3: {  	[hbm4b:s6+s2] =	stream.indirect_vreg.scatter [tilespmem:s8], [sflag:$0x1], $0x80, v3, vm0, $0xb8;
	[tilespmem:$0x10100] =	vst v63  }
0xb4: {  	v3 =	vld [tilespmem:$0xB0];
	_ =	sdelay $0x4  }
0xb5: {  	v55 =	vshll.u32 v3, $0x3  }
0xb6: {  	v3 =	vand.u32 $0x7, v3;
	v4 =	vand.u32 $0xFFFFFFC0, v55  }
0xb7: {  	v3 =	vor.u32 v3, v4  }
0xb8: {  	v4 =	vperm.xlane v3, v0;
	_ =	sdelay $0x1  }
0xb9: {  	v4 =	vadd.s32 v1, v4;
	_ =	sdelay $0x3  }
0xba: {  	s10 =	simm.s32 $0xC100  }
0xbb: {  	[hbm4b:s3+s2] =	stream.indirect_vreg.scatter [tilespmem:s10], [sflag:$0x1], $0x80, v4, vm0, $0xb8;
	[tilespmem:$0x10100] =	vst v63  }
0xbc: {  	s11 =	simm.s32 $0xC900;
	v3 =	vperm.xlane v3, v2  }
0xbd: {  	[hbm4b:s4+s2] =	stream.indirect_vreg.scatter [tilespmem:s11], [sflag:$0x1], $0x80, v4, vm0, $0xb8;
	[tilespmem:$0x10100] =	vst v63  }
0xbe: {  	v3 =	vadd.s32 v1, v3;
	s11 =	simm.s32 $0xD100  }
0xbf: {  	[hbm4b:s5+s2] =	stream.indirect_vreg.scatter [tilespmem:s11], [sflag:$0x1], $0x80, v4, vm0, $0xb8;
	[tilespmem:$0x10100] =	vst v63  }
0xc0: {  	s31 =	simm.s32 $0xD900  }
0xc1: {  	[hbm4b:s6+s2] =	stream.indirect_vreg.scatter [tilespmem:s31], [sflag:$0x1], $0x80, v4, vm0, $0xb8;
	[tilespmem:$0x10100] =	vst v63  }
0xc2: {  	s12 =	simm.s32 $0xE100  }
0xc3: {  	[hbm4b:s3+s2] =	stream.indirect_vreg.scatter [tilespmem:s12], [sflag:$0x1], $0x80, v3, vm0, $0xb8;
	[tilespmem:$0x10100] =	vst v63  }
0xc4: {  	s15 =	simm.s32 $0xE900  }
0xc5: {  	[hbm4b:s4+s2] =	stream.indirect_vreg.scatter [tilespmem:s15], [sflag:$0x1], $0x80, v3, vm0, $0xb8;
	[tilespmem:$0x10100] =	vst v63  }
0xc6: {  	s31 =	simm.s32 $0xF100  }
0xc7: {  	[hbm4b:s5+s2] =	stream.indirect_vreg.scatter [tilespmem:s31], [sflag:$0x1], $0x80, v3, vm0, $0xb8;
	[tilespmem:$0x10100] =	vst v63  }
0xc8: {  	s20 =	simm.s32 $0xF900  }
0xc9: {  	[hbm4b:s6+s2] =	stream.indirect_vreg.scatter [tilespmem:s20], [sflag:$0x1], $0x80, v3, vm0, $0xb8;
	[tilespmem:$0x10100] =	vst v63  }
0xca: {  	_ =	swait.ge [sflag:s19], $0x10000  }
0xcb: {  	[sflag:s19] =	ssyncset.done $0x0  }
0xcc: {  	[sflag:s19] =	ssyncadd.s32 $0xFFFF0000  }
0xcd: {  	_ =	swait.ge [sflag:s19], $0x10000  }
0xce: {  	[sflag:s19] =	ssyncset.done $0x0  }
0xcf: {  	s8 =	rddreg [dreg:$0x6];
	[sflag:s19] =	ssyncadd.s32 $0xFFFF0000  }
0xd0: {  	[tilespmem:s13], [sflag:$0x2] =	stream.linear.gather [hbm4b:s8+s2], $0x10000, $0x38;
	[tilespmem:$0x10100] =	vst v63  }
0xd1: {  	_ =	swait.ge [sflag:s9], $0x10000  }
0xd2: {  	[sflag:s9] =	ssyncset.done $0x0  }
0xd3: {  	s10 =	rddreg [dreg:$0x7];
	[sflag:s9] =	ssyncadd.s32 $0xFFFF0000  }
0xd4: {  	[tilespmem:s2], [sflag:$0x2] =	stream.linear.gather [hbm4b:s10+s2], $0x40, $0x38;
	[tilespmem:$0x10100] =	vst v63  }
0xd5: {  	_ =	swait.ge [sflag:s9], $0x40  }
0xd6: {  	[sflag:s9] =	ssyncset.done $0x0  }
0xd7: {  	s12 =	simm.s32 $0x80;
	s11 =	rddreg [dreg:$0x8];
	[sflag:s9] =	ssyncadd.s32 $0xFFFFFFC0  }
0xd8: {  	[tilespmem:s12], [sflag:$0x2] =	stream.linear.gather [hbm4b:s11+s2], $0x40, $0x38;
	[tilespmem:$0x10100] =	vst v63  }
0xd9: {  	_ =	swait.ge [sflag:s9], $0x40  }
0xda: {  	[sflag:s9] =	ssyncset.done $0x0  }
0xdb: {  	[sflag:s9] =	ssyncadd.s32 $0xFFFFFFC0  }
0xdc: {  	v3 =	vld [tilespmem:$0x0];
	_ =	sdelay $0x4  }
0xdd: {  	v56 =	vshll.u32 v3, $0x3  }
0xde: {  	v3 =	vand.u32 $0x7, v3;
	v4 =	vand.u32 $0xFFFFFFC0, v56  }
0xdf: {  	v3 =	vor.u32 v3, v4  }
0xe0: {  	v4 =	vperm.xlane v3, v0;
	_ =	sdelay $0x1  }
0xe1: {  	v4 =	vadd.s32 v1, v4;
	_ =	sdelay $0x4  }
0xe2: {  	[hbm4b:s3+s2] =	stream.indirect_vreg.scatter [tilespmem:s13], [sflag:$0x1], $0x80, v4, vm0, $0xb8;
	[tilespmem:$0x10100] =	vst v63  }
0xe3: {  	s31 =	simm.s32 $0x900;
	v3 =	vperm.xlane v3, v2  }
0xe4: {  	[hbm4b:s4+s2] =	stream.indirect_vreg.scatter [tilespmem:s31], [sflag:$0x1], $0x80, v4, vm0, $0xb8;
	[tilespmem:$0x10100] =	vst v63  }
0xe5: {  	s16 =	simm.s32 $0x1100;
	v3 =	vadd.s32 v1, v3  }
0xe6: {  	[hbm4b:s5+s2] =	stream.indirect_vreg.scatter [tilespmem:s16], [sflag:$0x1], $0x80, v4, vm0, $0xb8;
	[tilespmem:$0x10100] =	vst v63  }
0xe7: {  	s25 =	simm.s32 $0x1900  }
0xe8: {  	[hbm4b:s6+s2] =	stream.indirect_vreg.scatter [tilespmem:s25], [sflag:$0x1], $0x80, v4, vm0, $0xb8;
	[tilespmem:$0x10100] =	vst v63  }
0xe9: {  	s26 =	simm.s32 $0x2100  }
0xea: {  	[hbm4b:s3+s2] =	stream.indirect_vreg.scatter [tilespmem:s26], [sflag:$0x1], $0x80, v3, vm0, $0xb8;
	[tilespmem:$0x10100] =	vst v63  }
0xeb: {  	s28 =	simm.s32 $0x2900  }
0xec: {  	[hbm4b:s4+s2] =	stream.indirect_vreg.scatter [tilespmem:s28], [sflag:$0x1], $0x80, v3, vm0, $0xb8;
	[tilespmem:$0x10100] =	vst v63  }
0xed: {  	s29 =	simm.s32 $0x3100  }
0xee: {  	[hbm4b:s5+s2] =	stream.indirect_vreg.scatter [tilespmem:s29], [sflag:$0x1], $0x80, v3, vm0, $0xb8;
	[tilespmem:$0x10100] =	vst v63  }
0xef: {  	s10 =	simm.s32 $0x3900  }
0xf0: {  	[hbm4b:s6+s2] =	stream.indirect_vreg.scatter [tilespmem:s10], [sflag:$0x1], $0x80, v3, vm0, $0xb8;
	[tilespmem:$0x10100] =	vst v63  }
0xf1: {  	v3 =	vld [tilespmem:$0x10];
	_ =	sdelay $0x4  }
0xf2: {  	v57 =	vshll.u32 v3, $0x3  }
0xf3: {  	v3 =	vand.u32 $0x7, v3;
	v4 =	vand.u32 $0xFFFFFFC0, v57  }
0xf4: {  	v3 =	vor.u32 v3, v4  }
0xf5: {  	v4 =	vperm.xlane v3, v0;
	_ =	sdelay $0x1  }
0xf6: {  	v4 =	vadd.s32 v1, v4;
	_ =	sdelay $0x3  }
0xf7: {  	s11 =	simm.s32 $0x4100  }
0xf8: {  	[hbm4b:s3+s2] =	stream.indirect_vreg.scatter [tilespmem:s11], [sflag:$0x1], $0x80, v4, vm0, $0xb8;
	[tilespmem:$0x10100] =	vst v63  }
0xf9: {  	s21 =	simm.s32 $0x4900;
	v3 =	vperm.xlane v3, v2  }
0xfa: {  	[hbm4b:s4+s2] =	stream.indirect_vreg.scatter [tilespmem:s21], [sflag:$0x1], $0x80, v4, vm0, $0xb8;
	[tilespmem:$0x10100] =	vst v63  }
0xfb: {  	s12 =	simm.s32 $0x5100;
	v3 =	vadd.s32 v1, v3  }
0xfc: {  	[hbm4b:s5+s2] =	stream.indirect_vreg.scatter [tilespmem:s12], [sflag:$0x1], $0x80, v4, vm0, $0xb8;
	[tilespmem:$0x10100] =	vst v63  }
0xfd: {  	_ = 	snop  }
0xfe: {  	[hbm4b:s6+s2] =	stream.indirect_vreg.scatter [tilespmem:s0], [sflag:$0x1], $0x80, v4, vm0, $0xb8;
	[tilespmem:$0x10100] =	vst v63  }
0xff: {  	_ = 	snop  }
0x100: {  	[hbm4b:s3+s2] =	stream.indirect_vreg.scatter [tilespmem:s1], [sflag:$0x1], $0x80, v3, vm0, $0xb8;
	[tilespmem:$0x10100] =	vst v63  }
0x101: {  	s17 =	simm.s32 $0x6900  }
0x102: {  	[hbm4b:s4+s2] =	stream.indirect_vreg.scatter [tilespmem:s17], [sflag:$0x1], $0x80, v3, vm0, $0xb8;
	[tilespmem:$0x10100] =	vst v63  }
0x103: {  	s18 =	simm.s32 $0x7100  }
0x104: {  	[hbm4b:s5+s2] =	stream.indirect_vreg.scatter [tilespmem:s18], [sflag:$0x1], $0x80, v3, vm0, $0xb8;
	[tilespmem:$0x10100] =	vst v63  }
0x105: {  	s8 =	simm.s32 $0x7900  }
0x106: {  	[hbm4b:s6+s2] =	stream.indirect_vreg.scatter [tilespmem:s8], [sflag:$0x1], $0x80, v3, vm0, $0xb8;
	[tilespmem:$0x10100] =	vst v63  }
0x107: {  	v3 =	vld [tilespmem:$0x20];
	_ =	sdelay $0x4  }
0x108: {  	v58 =	vshll.u32 v3, $0x3  }
0x109: {  	v3 =	vand.u32 $0x7, v3;
	v4 =	vand.u32 $0xFFFFFFC0, v58  }
0x10a: {  	v3 =	vor.u32 v3, v4  }
0x10b: {  	v4 =	vperm.xlane v3, v0;
	_ =	sdelay $0x1  }
0x10c: {  	v4 =	vadd.s32 v1, v4;
	_ =	sdelay $0x3  }
0x10d: {  	s11 =	simm.s32 $0x8100  }
0x10e: {  	[hbm4b:s3+s2] =	stream.indirect_vreg.scatter [tilespmem:s11], [sflag:$0x1], $0x80, v4, vm0, $0xb8;
	[tilespmem:$0x10100] =	vst v63  }
0x10f: {  	s12 =	simm.s32 $0x8900;
	v3 =	vperm.xlane v3, v2  }
0x110: {  	[hbm4b:s4+s2] =	stream.indirect_vreg.scatter [tilespmem:s12], [sflag:$0x1], $0x80, v4, vm0, $0xb8;
	[tilespmem:$0x10100] =	vst v63  }
0x111: {  	s14 =	simm.s32 $0x9100;
	v3 =	vadd.s32 v1, v3  }
0x112: {  	[hbm4b:s5+s2] =	stream.indirect_vreg.scatter [tilespmem:s14], [sflag:$0x1], $0x80, v4, vm0, $0xb8;
	[tilespmem:$0x10100] =	vst v63  }
0x113: {  	s22 =	simm.s32 $0x9900  }
0x114: {  	[hbm4b:s6+s2] =	stream.indirect_vreg.scatter [tilespmem:s22], [sflag:$0x1], $0x80, v4, vm0, $0xb8;
	[tilespmem:$0x10100] =	vst v63  }
0x115: {  	s23 =	simm.s32 $0xA100  }
0x116: {  	[hbm4b:s3+s2] =	stream.indirect_vreg.scatter [tilespmem:s23], [sflag:$0x1], $0x80, v3, vm0, $0xb8;
	[tilespmem:$0x10100] =	vst v63  }
0x117: {  	s20 =	simm.s32 $0xA900  }
0x118: {  	[hbm4b:s4+s2] =	stream.indirect_vreg.scatter [tilespmem:s20], [sflag:$0x1], $0x80, v3, vm0, $0xb8;
	[tilespmem:$0x10100] =	vst v63  }
0x119: {  	s20 =	simm.s32 $0xB100  }
0x11a: {  	[hbm4b:s5+s2] =	stream.indirect_vreg.scatter [tilespmem:s20], [sflag:$0x1], $0x80, v3, vm0, $0xb8;
	[tilespmem:$0x10100] =	vst v63  }
0x11b: {  	s24 =	simm.s32 $0xB900  }
0x11c: {  	[hbm4b:s6+s2] =	stream.indirect_vreg.scatter [tilespmem:s24], [sflag:$0x1], $0x80, v3, vm0, $0xb8;
	[tilespmem:$0x10100] =	vst v63  }
0x11d: {  	v3 =	vld [tilespmem:$0x30];
	_ =	sdelay $0x4  }
0x11e: {  	v59 =	vshll.u32 v3, $0x3  }
0x11f: {  	v3 =	vand.u32 $0x7, v3;
	v4 =	vand.u32 $0xFFFFFFC0, v59  }
0x120: {  	v3 =	vor.u32 v3, v4  }
0x121: {  	v4 =	vperm.xlane v3, v0;
	_ =	sdelay $0x1  }
0x122: {  	v4 =	vadd.s32 v1, v4;
	_ =	sdelay $0x3  }
0x123: {  	s30 =	simm.s32 $0xC100  }
0x124: {  	[hbm4b:s3+s2] =	stream.indirect_vreg.scatter [tilespmem:s30], [sflag:$0x1], $0x80, v4, vm0, $0xb8;
	[tilespmem:$0x10100] =	vst v63  }
0x125: {  	s10 =	simm.s32 $0xC900;
	v3 =	vperm.xlane v3, v2  }
0x126: {  	[hbm4b:s4+s2] =	stream.indirect_vreg.scatter [tilespmem:s10], [sflag:$0x1], $0x80, v4, vm0, $0xb8;
	[tilespmem:$0x10100] =	vst v63  }
0x127: {  	s1 =	simm.s32 $0xD100;
	v3 =	vadd.s32 v1, v3  }
0x128: {  	[hbm4b:s5+s2] =	stream.indirect_vreg.scatter [tilespmem:s1], [sflag:$0x1], $0x80, v4, vm0, $0xb8;
	[tilespmem:$0x10100] =	vst v63  }
0x129: {  	s0 =	simm.s32 $0xD900  }
0x12a: {  	[hbm4b:s6+s2] =	stream.indirect_vreg.scatter [tilespmem:s0], [sflag:$0x1], $0x80, v4, vm0, $0xb8;
	[tilespmem:$0x10100] =	vst v63  }
0x12b: {  	s1 =	simm.s32 $0xE100  }
0x12c: {  	[hbm4b:s3+s2] =	stream.indirect_vreg.scatter [tilespmem:s1], [sflag:$0x1], $0x80, v3, vm0, $0xb8;
	[tilespmem:$0x10100] =	vst v63  }
0x12d: {  	s1 =	simm.s32 $0xE900  }
0x12e: {  	[hbm4b:s4+s2] =	stream.indirect_vreg.scatter [tilespmem:s1], [sflag:$0x1], $0x80, v3, vm0, $0xb8;
	[tilespmem:$0x10100] =	vst v63  }
0x12f: {  	s15 =	simm.s32 $0xF100  }
0x130: {  	[hbm4b:s5+s2] =	stream.indirect_vreg.scatter [tilespmem:s15], [sflag:$0x1], $0x80, v3, vm0, $0xb8;
	[tilespmem:$0x10100] =	vst v63  }
0x131: {  	s1 =	simm.s32 $0xF900  }
0x132: {  	[hbm4b:s6+s2] =	stream.indirect_vreg.scatter [tilespmem:s1], [sflag:$0x1], $0x80, v3, vm0, $0xb8;
	[tilespmem:$0x10100] =	vst v63  }
0x133: {  	v3 =	vld [tilespmem:$0x80];
	_ =	sdelay $0x4  }
0x134: {  	v60 =	vshll.u32 v3, $0x3  }
0x135: {  	v3 =	vand.u32 $0x7, v3;
	v4 =	vand.u32 $0xFFFFFFC0, v60  }
0x136: {  	v3 =	vor.u32 v3, v4  }
0x137: {  	v4 =	vperm.xlane v3, v0;
	_ =	sdelay $0x1  }
0x138: {  	v4 =	vadd.s32 v1, v4;
	_ =	sdelay $0x4  }
0x139: {  	[hbm4b:s3+s2] =	stream.indirect_vreg.scatter [tilespmem:s13], [sflag:$0x1], $0x80, v4, vm0, $0xb8;
	[tilespmem:$0x10100] =	vst v63  }
0x13a: {  	v3 =	vperm.xlane v3, v2;
	s13 =	simm.s32 $0x900  }
0x13b: {  	[hbm4b:s4+s2] =	stream.indirect_vreg.scatter [tilespmem:s13], [sflag:$0x1], $0x80, v4, vm0, $0xb8;
	[tilespmem:$0x10100] =	vst v63  }
0x13c: {  	v3 =	vadd.s32 v1, v3;
	s13 =	simm.s32 $0x1100  }
0x13d: {  	[hbm4b:s5+s2] =	stream.indirect_vreg.scatter [tilespmem:s13], [sflag:$0x1], $0x80, v4, vm0, $0xb8;
	[tilespmem:$0x10100] =	vst v63  }
0x13e: {  	s25 =	simm.s32 $0x1900  }
0x13f: {  	[hbm4b:s6+s2] =	stream.indirect_vreg.scatter [tilespmem:s25], [sflag:$0x1], $0x80, v4, vm0, $0xb8;
	[tilespmem:$0x10100] =	vst v63  }
0x140: {  	s26 =	simm.s32 $0x2100  }
0x141: {  	[hbm4b:s3+s2] =	stream.indirect_vreg.scatter [tilespmem:s26], [sflag:$0x1], $0x80, v3, vm0, $0xb8;
	[tilespmem:$0x10100] =	vst v63  }
0x142: {  	s28 =	simm.s32 $0x2900  }
0x143: {  	[hbm4b:s4+s2] =	stream.indirect_vreg.scatter [tilespmem:s28], [sflag:$0x1], $0x80, v3, vm0, $0xb8;
	[tilespmem:$0x10100] =	vst v63  }
0x144: {  	s29 =	simm.s32 $0x3100  }
0x145: {  	[hbm4b:s5+s2] =	stream.indirect_vreg.scatter [tilespmem:s29], [sflag:$0x1], $0x80, v3, vm0, $0xb8;
	[tilespmem:$0x10100] =	vst v63  }
0x146: {  	s29 =	simm.s32 $0x3900  }
0x147: {  	[hbm4b:s6+s2] =	stream.indirect_vreg.scatter [tilespmem:s29], [sflag:$0x1], $0x80, v3, vm0, $0xb8;
	[tilespmem:$0x10100] =	vst v63  }
0x148: {  	v3 =	vld [tilespmem:$0x90];
	_ =	sdelay $0x4  }
0x149: {  	v61 =	vshll.u32 v3, $0x3  }
0x14a: {  	v3 =	vand.u32 $0x7, v3;
	v4 =	vand.u32 $0xFFFFFFC0, v61  }
0x14b: {  	v3 =	vor.u32 v3, v4  }
0x14c: {  	v4 =	vperm.xlane v3, v0;
	_ =	sdelay $0x1  }
0x14d: {  	v4 =	vadd.s32 v1, v4;
	_ =	sdelay $0x3  }
0x14e: {  	s25 =	simm.s32 $0x4100  }
0x14f: {  	[hbm4b:s3+s2] =	stream.indirect_vreg.scatter [tilespmem:s25], [sflag:$0x1], $0x80, v4, vm0, $0xb8;
	[tilespmem:$0x10100] =	vst v63  }
0x150: {  	s26 =	simm.s32 $0x4900;
	v3 =	vperm.xlane v3, v2  }
0x151: {  	[hbm4b:s4+s2] =	stream.indirect_vreg.scatter [tilespmem:s26], [sflag:$0x1], $0x80, v4, vm0, $0xb8;
	[tilespmem:$0x10100] =	vst v63  }
0x152: {  	s16 =	simm.s32 $0x5100;
	v3 =	vadd.s32 v1, v3  }
0x153: {  	[hbm4b:s5+s2] =	stream.indirect_vreg.scatter [tilespmem:s16], [sflag:$0x1], $0x80, v4, vm0, $0xb8;
	[tilespmem:$0x10100] =	vst v63  }
0x154: {  	s21 =	simm.s32 $0x5900  }
0x155: {  	[hbm4b:s6+s2] =	stream.indirect_vreg.scatter [tilespmem:s21], [sflag:$0x1], $0x80, v4, vm0, $0xb8;
	[tilespmem:$0x10100] =	vst v63  }
0x156: {  	s31 =	simm.s32 $0x6100  }
0x157: {  	[hbm4b:s3+s2] =	stream.indirect_vreg.scatter [tilespmem:s31], [sflag:$0x1], $0x80, v3, vm0, $0xb8;
	[tilespmem:$0x10100] =	vst v63  }
0x158: {  	s17 =	simm.s32 $0x6900  }
0x159: {  	[hbm4b:s4+s2] =	stream.indirect_vreg.scatter [tilespmem:s17], [sflag:$0x1], $0x80, v3, vm0, $0xb8;
	[tilespmem:$0x10100] =	vst v63  }
0x15a: {  	s18 =	simm.s32 $0x7100  }
0x15b: {  	[hbm4b:s5+s2] =	stream.indirect_vreg.scatter [tilespmem:s18], [sflag:$0x1], $0x80, v3, vm0, $0xb8;
	[tilespmem:$0x10100] =	vst v63  }
0x15c: {  	_ = 	snop  }
0x15d: {  	[hbm4b:s6+s2] =	stream.indirect_vreg.scatter [tilespmem:s8], [sflag:$0x1], $0x80, v3, vm0, $0xb8;
	[tilespmem:$0x10100] =	vst v63  }
0x15e: {  	v3 =	vld [tilespmem:$0xA0];
	_ =	sdelay $0x4  }
0x15f: {  	v62 =	vshll.u32 v3, $0x3  }
0x160: {  	v3 =	vand.u32 $0x7, v3;
	v4 =	vand.u32 $0xFFFFFFC0, v62  }
0x161: {  	v3 =	vor.u32 v3, v4  }
0x162: {  	v4 =	vperm.xlane v3, v0;
	_ =	sdelay $0x1  }
0x163: {  	v4 =	vadd.s32 v1, v4;
	_ =	sdelay $0x4  }
0x164: {  	[hbm4b:s3+s2] =	stream.indirect_vreg.scatter [tilespmem:s11], [sflag:$0x1], $0x80, v4, vm0, $0xb8;
	[tilespmem:$0x10100] =	vst v63  }
0x165: {  	v3 =	vperm.xlane v3, v2  }
0x166: {  	[hbm4b:s4+s2] =	stream.indirect_vreg.scatter [tilespmem:s12], [sflag:$0x1], $0x80, v4, vm0, $0xb8;
	[tilespmem:$0x10100] =	vst v63  }
0x167: {  	s14 =	simm.s32 $0x9100;
	v3 =	vadd.s32 v1, v3  }
0x168: {  	[hbm4b:s5+s2] =	stream.indirect_vreg.scatter [tilespmem:s14], [sflag:$0x1], $0x80, v4, vm0, $0xb8;
	[tilespmem:$0x10100] =	vst v63  }
0x169: {  	s22 =	simm.s32 $0x9900  }
0x16a: {  	[hbm4b:s6+s2] =	stream.indirect_vreg.scatter [tilespmem:s22], [sflag:$0x1], $0x80, v4, vm0, $0xb8;
	[tilespmem:$0x10100] =	vst v63  }
0x16b: {  	s23 =	simm.s32 $0xA100  }
0x16c: {  	[hbm4b:s3+s2] =	stream.indirect_vreg.scatter [tilespmem:s23], [sflag:$0x1], $0x80, v3, vm0, $0xb8;
	[tilespmem:$0x10100] =	vst v63  }
0x16d: {  	s28 =	simm.s32 $0xA900  }
0x16e: {  	[hbm4b:s4+s2] =	stream.indirect_vreg.scatter [tilespmem:s28], [sflag:$0x1], $0x80, v3, vm0, $0xb8;
	[tilespmem:$0x10100] =	vst v63  }
0x16f: {  	_ = 	snop  }
0x170: {  	[hbm4b:s5+s2] =	stream.indirect_vreg.scatter [tilespmem:s20], [sflag:$0x1], $0x80, v3, vm0, $0xb8;
	[tilespmem:$0x10100] =	vst v63  }
0x171: {  	s24 =	simm.s32 $0xB900  }
0x172: {  	[hbm4b:s6+s2] =	stream.indirect_vreg.scatter [tilespmem:s24], [sflag:$0x1], $0x80, v3, vm0, $0xb8;
	[tilespmem:$0x10100] =	vst v63  }
0x173: {  	v3 =	vld [tilespmem:$0xB0];
	_ =	sdelay $0x4  }
0x174: {  	v63 =	vshll.u32 v3, $0x3  }
0x175: {  	v3 =	vand.u32 $0x7, v3;
	v4 =	vand.u32 $0xFFFFFFC0, v63  }
0x176: {  	v3 =	vor.u32 v3, v4  }
0x177: {  	v4 =	vperm.xlane v3, v0;
	_ =	sdelay $0x1  }
0x178: {  	v4 =	vadd.s32 v1, v4;
	_ =	sdelay $0x3  }
0x179: {  	s30 =	simm.s32 $0xC100  }
0x17a: {  	[hbm4b:s3+s2] =	stream.indirect_vreg.scatter [tilespmem:s30], [sflag:$0x1], $0x80, v4, vm0, $0xb8;
	[tilespmem:$0x10100] =	vst v63  }
0x17b: {  	v3 =	vperm.xlane v3, v2  }
0x17c: {  	[hbm4b:s4+s2] =	stream.indirect_vreg.scatter [tilespmem:s10], [sflag:$0x1], $0x80, v4, vm0, $0xb8;
	[tilespmem:$0x10100] =	vst v63  }
0x17d: {  	s29 =	simm.s32 $0xD100;
	v3 =	vadd.s32 v1, v3  }
0x17e: {  	[hbm4b:s5+s2] =	stream.indirect_vreg.scatter [tilespmem:s29], [sflag:$0x1], $0x80, v4, vm0, $0xb8;
	[tilespmem:$0x10100] =	vst v63  }
0x17f: {  	_ = 	snop  }
0x180: {  	[hbm4b:s6+s2] =	stream.indirect_vreg.scatter [tilespmem:s0], [sflag:$0x1], $0x80, v4, vm0, $0xb8;
	[tilespmem:$0x10100] =	vst v63  }
0x181: {  	s30 =	simm.s32 $0xE100  }
0x182: {  	[hbm4b:s3+s2] =	stream.indirect_vreg.scatter [tilespmem:s30], [sflag:$0x1], $0x80, v3, vm0, $0xb8;
	[tilespmem:$0x10100] =	vst v63  }
0x183: {  	s31 =	simm.s32 $0xE900  }
0x184: {  	[hbm4b:s4+s2] =	stream.indirect_vreg.scatter [tilespmem:s31], [sflag:$0x1], $0x80, v3, vm0, $0xb8;
	[tilespmem:$0x10100] =	vst v63  }
0x185: {  	s15 =	simm.s32 $0xF100  }
0x186: {  	[hbm4b:s5+s2] =	stream.indirect_vreg.scatter [tilespmem:s15], [sflag:$0x1], $0x80, v3, vm0, $0xb8;
	[tilespmem:$0x10100] =	vst v63  }
0x187: {  	_ = 	snop  }
0x188: {  	[hbm4b:s6+s2] =	stream.indirect_vreg.scatter [tilespmem:s1], [sflag:$0x1], $0x80, v3, vm0, $0xb8;
	[tilespmem:$0x10100] =	vst v63  }
0x189: {  	p0 =	sne.s32 s7, $0x1;
	_ =	swait.ge [sflag:s19], $0x10000  }
.Ltmp0:
0x18a: {  	[sflag:s19] =	ssyncset.done $0x0;
	(pc) =	sbr.rel @p0 .LBB2_1-.Ltmp0, $4  }
0x18b: {  	[sflag:s19] =	ssyncadd.s32 $0xFFFF0000  }
0x18c: {  	_ =	swait.ge [sflag:s19], $0x10000  }
0x18d: {  	[sflag:s19] =	ssyncset.done $0x0  }
0x18e: {  	s7 =	sadd.s32 $0xFFFFFFFF, s7;
	[sflag:s19] =	ssyncadd.s32 $0xFFFF0000  }
0x18f: {  	_ =	sfence.sel $0x180000  }
0x190: {  	[bflag:$0x0] =	sbarrier.arrive $0xFFFF  }
0x191: {  	_ =	strace $0x90000047  }
0x192: {  	s0 =	stileid.u32;
	[bflag:$0x2] =	sbarrier.arrive $0xFFFF  }
0x193: {  	p0 =	sne.s32 s0, $0x0;
	s0 =	rddreg [dreg:$0x2]  }
0x194: {  	s0 =	sadd.s32 @!p0 $0x100000, s0  }
0x195: {  	[sflag:s0] =	ssyncadd.tile.s32 @!p0 $0x1;
	_ =	shalt  }
.Lfunc_end2:
_tile_overlayer_lowered:
.L_overlay_start_2:
0x196: {  	(tag) =	ssettag $0x2  }
0x197: {  	s0 =	rddreg [dreg:$0x0];
	s2 =	stileid.u32  }
0x198: {  	s1 =	rddreg [dreg:$0x1];
	p0 =	sne.s32 s2, $0x0  }
0x199: {  	s3 =	rddreg [dreg:$0x2];
	[bflag:$0x3] =	sbarrier.arrive $0xFFFF;
	s2 =	simm.s32 @!p0 $0x1C02  }
0x19a: {  	[timem:s3], [sflag:s2] =	dma.local @!p0 [hbm:s0], s1  }
0x19b: {  	s0 =	simm.s32 @!p0 $0x2  }
0x19c: {  	_ =	swait.ge @!p0 [sflag:s0], s1  }
0x19d: {  	s1 =	ssub.s32 @!p0 $0x0, s1;
	[sflag:s0] =	ssyncset.done @!p0 $0x0  }
0x19e: {  	[sflag:s0] =	ssyncadd.s32 @!p0 s1  }
0x19f: {  	[bflag:$0x3] =	sbarrier.arrive $0xFFFF  }
0x1a0: {  	_ =	shalt  }

// kernel: kernel.13.cloned.1.call-start
scs
__scs_entry_jumppad:
0x0: {  	(pc) =	sbr.rel $0x88, $3  }
0x1: {  	(tag) =	ssettag $0x0;
	lr =	simm.s32 $0x1  }
0x2: {  	[smem:$0x3F94] =	sst lr;
	_ =	strace $0xD0000000  }
0x3: {  	_ = 	snop  }
0x4: {  	_ = 	snop  }
0x5: {  	_ = 	snop  }
0x6: {  	_ = 	snop  }
0x7: {  	_ = 	snop  }
__scs_overlays_trampoline_lowered:
0x8: {  	[smem:$0x3FA3] =	sst s0  }
0x9: {  	[smem:$0x3FA4] =	sst s1  }
0xa: {  	[smem:$0x3FA5] =	sst s2  }
0xb: {  	[smem:$0x3FA6] =	sst s3  }
0xc: {  	[smem:$0x3FA7] =	sst s4  }
0xd: {  	[smem:$0x3FA8] =	sst s5  }
0xe: {  	[smem:$0x3FA9] =	sst s6  }
0xf: {  	[smem:$0x3FAA] =	sst s7  }
0x10: {  	[smem:$0x3FAB] =	sst s8  }
0x11: {  	[smem:$0x3FAC] =	sst s9;
	s0 =	simm.s32 @!p0 $0x0  }
0x12: {  	s1 =	sld [smem:$0x3F92];
	s0 =	simm.s32 @p0 $0x1  }
0x13: {  	[smem:$0x3FAD] =	sst s0;
	s0 =	simm.s32 @!p1 $0x0  }
0x14: {  	s2 =	sld [smem:$0x3F91];
	s0 =	simm.s32 @p1 $0x1  }
0x15: {  	[smem:$0x3FAE] =	sst s0;
	s0 =	simm.s32 @!p2 $0x0  }
0x16: {  	s3 =	sld [smem:$0x3FDB];
	s0 =	simm.s32 @p2 $0x1  }
0x17: {  	s4 =	simm.s32 $0x1BF5;
	[smem:$0x3FB0] =	sst s0  }
0x18: {  	s0 =	sld [smem:$0x3F93];
	_ =	swait.ge [sflag:s4], $0x0  }
0x19: {  	s7 =	sld [smem:$0x3F94]  }
0x1a: {  	s8 =	sadd.s32 $0xFFFFE003, lr  }
0x1b: {  	s9 =	sadd.s32 $0xFFFFFEF7, lr;
	s5 =	simm.s32 $0xFFFFFFFF;
	p2 =	slt.u32 s8, $0xFFFFF086  }
0x1c: {  	p1 =	slt.u32 s9, $0xF7A;
	s5 =	simm.s32 @!p2 $0x0  }
0x1d: {  	s5 =	simm.s32 @p1 $0x1;
	p0 =	seq.s32 s7, s2  }
0x1e: {  	s7 =	smul.u32 @!p0 $0xF7A, s2;
	p2 =	seq.s32 @!p0 s5, $0x0  }
0x1f: {  	s9 =	smul.u32 $0xF7A, s1;
	s8 =	simm.s32 @!p0 $0x1BF5;
	p2 =	por !p2, p0  }
0x20: {  	[sflag:s8] =	ssyncset.s32 @!p0 $0xFFFFF086;
	s6 =	sadd.s32 @!p0 s3, s7;
	s7 =	simm.s32 @!p0 $0x108  }
0x21: {  	s3 =	sadd.s32 s3, s9;
	s6 =	sadd.s32 @!p0 $0x88, s6;
	s7 =	simm.s32 @p2 $0x1082  }
0x22: {  	[simem:s7], [sflag:s8] =	dma.local @!p0 [hbm:s6], $0xF7A  }
0x23: {  	s9 =	sor.u32 $0xD0000000, s2;
	s6 =	simm.s32 $0x108;
	_ =	swait.ge @!p0 [sflag:s8], $0x0  }
0x24: {  	s3 =	sadd.s32 $0x88, s3;
	s6 =	simm.s32 @!p1 $0x1082;
	[sflag:s4] =	ssyncset.s32 $0xFFFFF086  }
0x25: {  	[simem:s6], [sflag:s4] =	dma.local [hbm:s3], $0xF7A  }
0x26: {  	[smem:$0x3F94] =	sst s1;
	(tag) =	ssettag s2;
	_ =	strace s9  }
0x27: {  	s1 =	sld [smem:$0x3FA4]  }
0x28: {  	s2 =	sld [smem:$0x3FA5]  }
0x29: {  	s4 =	sld [smem:$0x3FA7]  }
0x2a: {  	p0 =	seq.s32 s5, $0x0;
	s5 =	sld [smem:$0x3FA8]  }
0x2b: {  	s6 =	sld [smem:$0x3FA9]  }
0x2c: {  	s7 =	sld [smem:$0x3FAA]  }
0x2d: {  	s3 =	simm.s32 $0x108;
	s8 =	sld [smem:$0x3FAB]  }
0x2e: {  	s3 =	simm.s32 @!p0 $0x1082;
	s9 =	sld [smem:$0x3FAC]  }
0x2f: {  	lr =	sadd.s32 s0, s3;
	s0 =	sld [smem:$0x3FA3]  }
0x30: {  	s3 =	sld [smem:$0x3FA6]  }
0x31: {  	[smem:$0x3FAF] =	sst s10  }
0x32: {  	s10 =	sld [smem:$0x3FAD];
	_ =	sdelay $0x3  }
0x33: {  	p0 =	seq.s32 s10, $0x1;
	s10 =	sld [smem:$0x3FAF];
	_ =	sdelay $0x3  }
0x34: {  	[smem:$0x3FAF] =	sst s10  }
0x35: {  	s10 =	sld [smem:$0x3FAE];
	_ =	sdelay $0x3  }
0x36: {  	p1 =	seq.s32 s10, $0x1;
	s10 =	sld [smem:$0x3FAF];
	_ =	sdelay $0x3  }
0x37: {  	[smem:$0x3FAF] =	sst s10  }
0x38: {  	s10 =	sld [smem:$0x3FB0]  }
0x39: {  	_ = 	snop;
	(pc) =	sbr.ind lr, $3  }
0x3a: {  	_ = 	snop  }
0x3b: {  	_ = 	snop  }
0x3c: {  	p2 =	seq.s32 s10, $0x1;
	s10 =	sld [smem:$0x3FAF]  }
0x3d: {  	_ =	shalt  }
0x3e: {  	_ =	shalt  }
0x3f: {  	_ =	shalt  }
0x40: {  	_ =	shalt  }
0x41: {  	_ =	shalt  }
0x42: {  	_ =	shalt  }
0x43: {  	_ =	shalt  }
0x44: {  	_ =	shalt  }
0x45: {  	_ =	shalt  }
0x46: {  	_ =	shalt  }
0x47: {  	_ =	shalt  }
0x48: {  	_ =	shalt  }
0x49: {  	_ =	shalt  }
0x4a: {  	_ =	shalt  }
0x4b: {  	_ =	shalt  }
0x4c: {  	_ =	shalt  }
0x4d: {  	_ =	shalt  }
0x4e: {  	_ =	shalt  }
0x4f: {  	_ =	shalt  }
0x50: {  	_ =	shalt  }
0x51: {  	_ =	shalt  }
0x52: {  	_ =	shalt  }
0x53: {  	_ =	shalt  }
0x54: {  	_ =	shalt  }
0x55: {  	_ =	shalt  }
0x56: {  	_ =	shalt  }
0x57: {  	_ =	shalt  }
0x58: {  	_ =	shalt  }
0x59: {  	_ =	shalt  }
0x5a: {  	_ =	shalt  }
0x5b: {  	_ =	shalt  }
0x5c: {  	_ =	shalt  }
0x5d: {  	_ =	shalt  }
0x5e: {  	_ =	shalt  }
0x5f: {  	_ =	shalt  }
0x60: {  	_ =	shalt  }
0x61: {  	_ =	shalt  }
0x62: {  	_ =	shalt  }
0x63: {  	_ =	shalt  }
0x64: {  	_ =	shalt  }
0x65: {  	_ =	shalt  }
0x66: {  	_ =	shalt  }
0x67: {  	_ =	shalt  }
0x68: {  	_ =	shalt  }
0x69: {  	_ =	shalt  }
0x6a: {  	_ =	shalt  }
0x6b: {  	_ =	shalt  }
0x6c: {  	_ =	shalt  }
0x6d: {  	_ =	shalt  }
0x6e: {  	_ =	shalt  }
0x6f: {  	_ =	shalt  }
0x70: {  	_ =	shalt  }
0x71: {  	_ =	shalt  }
0x72: {  	_ =	shalt  }
0x73: {  	_ =	shalt  }
0x74: {  	_ =	shalt  }
0x75: {  	_ =	shalt  }
0x76: {  	_ =	shalt  }
0x77: {  	_ =	shalt  }
0x78: {  	_ =	shalt  }
0x79: {  	_ =	shalt  }
0x7a: {  	_ =	shalt  }
0x7b: {  	_ =	shalt  }
0x7c: {  	_ =	shalt  }
0x7d: {  	_ =	shalt  }
0x7e: {  	_ =	shalt  }
0x7f: {  	_ =	shalt  }
0x80: {  	_ =	shalt  }
0x81: {  	_ =	shalt  }
0x82: {  	_ =	shalt  }
0x83: {  	_ =	shalt  }
0x84: {  	_ =	shalt  }
0x85: {  	_ =	shalt  }
0x86: {  	_ =	shalt  }
0x87: {  	_ =	shalt  }
.Lfunc_end0:
.L_simem_size_0:
called_computation.1_lowered:
.L_overlay_start_0:
0x88: {  	s2 =	sld [smem:$0x3FD9]  }
0x89: {  	s3 =	sld [smem:$0x3FFE];
	_ =	sdelay $0x1  }
0x8a: {  	s1 =	srdreg.scid  }
0x8b: {  	s0 =	sand.u32 $0x1, s1  }
0x8c: {  	s16 =	sshll.u32 s0, $0xA;
	s2 =	sadd.s32 s3, s2  }
0x8d: {  	s2 =	sadd.s32 s2, s16  }
0x8e: {  	[smem:$0x3FBB] =	sst s2  }
0x8f: {  	_ = 	snop  }
0x90: {  	(tm) =	ssettm $0x1  }
0x91: {  	s17 =	sld [smem:$0x3FFB];
	_ =	sdelay $0x3  }
0x92: {  	_ =	strace s17  }
0x93: {  	s2 =	sld [smem:$0x3FFC];
	_ =	sdelay $0x3  }
0x94: {  	_ =	strace s2  }
0x95: {  	s2 =	sld [smem:$0x3FFD];
	_ =	sdelay $0x3  }
0x96: {  	_ =	strace s2  }
0x97: {  	_ =	strace $0x8FFFFFFF  }
0x98: {  	s18 =	sld [smem:$0x3FDB];
	_ =	sdelay $0x1  }
0x99: {  	s19 =	simm.s32 $_scs_section_size  }
0x9a: {  	s4 =	simm.s32 $_size__tile_overlayer_lowered;
	s5 =	simm.s32 $_tile_overlayer_lowered  }
0x9b: {  	s22 =	simm.s32 $0x1BFF;
	s21 =	sshll.u32 s5, $0x1;
	s2 =	sadd.s32 s19, s18  }
0x9c: {  	s6 =	simm.s32 $0x0;
	s20 =	sshll.u32 s4, $0x1;
	s4 =	sadd.s32 s21, s2  }
0x9d: {  	[timem:s6], [sflag:s22] =	dma.local [hbm:s4], s20  }
0x9e: {  	_ =	swait.ge [sflag:s22], s20  }
0x9f: {  	s3 =	ssub.s32 $0x0, s20;
	[sflag:s22] =	ssyncset.done $0x0  }
0xa0: {  	[sflag:s22] =	ssyncadd.s32 s3;
	_ =	sdelay $0x1  }
0xa1: {  	s23 =	simm.s32 $0x1B8B  }
0xa2: {  	_ =	swait.ge [sflag:s23], $0x1  }
0xa3: {  	[sflag:s23] =	ssyncset.done $0x0  }
0xa4: {  	s25 =	simm.s32 $0x1B8E;
	s24 =	sld [smem:$0x3FFE];
	[sflag:s23] =	ssyncadd.s32 $0xFFFFFFFF  }
0xa5: {  	s26 =	simm.s32 $execute0_lowered;
	[smem:$0x3FD2] =	sst s25  }
0xa6: {  	s4 =	sshll.u32 s26, $0x1;
	_ =	strace $0x80000049;
	[dreg:$0x1] =	wrdreg $0xFFFFFFFF  }
0xa7: {  	s28 =	simm.s32 $_size_execute0_lowered;
	s2 =	sadd.s32 s2, s4;
	[dreg:$0x0] =	wrdreg $0x0  }
0xa8: {  	s4 =	sshll.u32 s28, $0x1;
	[dreg:$0x2] =	wrdreg s2  }
0xa9: {  	[dreg:$0x3] =	wrdreg s4  }
0xaa: {  	[dreg:$0x4] =	wrdreg $0xC0  }
0xab: {  	_ =	task [dreg:s6], $0x5FFFF  }
0xac: {  	[dreg:$0x1] =	wrdreg $0xFFFFFFFF  }
0xad: {  	[dreg:$0x0] =	wrdreg $0x60  }
0xae: {  	[dreg:$0x2] =	wrdreg s24  }
0xaf: {  	[dreg:$0x3] =	wrdreg $0x9  }
0xb0: {  	_ =	task.clear_ibuf [dreg:s6], $0x4FFFF;
	_ =	strace $0x90000049  }
0xb1: {  	s29 =	simm.s32 $0x9;
	_ =	strace $0x8000004B  }
0xb2: {  	_ =	swait.ge [sflag:s29], $0x1  }
0xb3: {  	[sflag:s29] =	ssyncadd.s32 $0xFFFFFFFF  }
0xb4: {  	_ =	strace $0x9000004B  }
0xb5: {  	_ =	sfence  }
0xb6: {  	s30 =	sld [smem:$0x0];
	_ =	sdelay $0x2  }
0xb7: {  	s31 =	sshll.u32 s1, $0xD;
	s1 =	sshrl.u32 s1, $0x2  }
0xb8: {  	s3 =	sand.u32 $0x4000, s31;
	s1 =	sadd.s32 s1, s30  }
0xb9: {  	s0 =	sor.u32 s3, s0;
	s1 =	sshll.u32 s1, $0x11  }
0xba: {  	s0 =	sor.u32 s1, s0  }
0xbb: {  	s0 =	sadd.s32 $0x8F2B, s0  }
0xbc: {  	[sflag:s0] =	ssyncadd.remote.s32 $0x1  }
0xbd: {  	_ =	sfence.sel $0xFFFF  }
0xbe: {  	[dreg:$0x0] =	wrdreg $0xFFFFFFFF;
	(pc) =	sbr.abs _section_cstart, $3  }
0xbf: {  	[dreg:$0x1] =	wrdreg $0xFFFFFFFF  }
0xc0: {  	_ =	task.clear_ibuf [dreg:s6], $0x2FFFF;
	_ =	strace $0x9FFFFFFF  }
0xc1: {  	(tm) =	ssettm $0x7FFFFFFF  }
tec
execute0_lowered:
.L_overlay_start_1:
0x0: {  	(tag) =	ssettag $0x1  }
0x1: {  	s0 =	rddreg [dreg:$0x0]  }
0x2: {  	s1 =	simm.s32 $0x0;
	s2 =	srdreg.scid;
	s5 =	stileid.u32  }
0x3: {  	s23 =	simm.s32 $0x80;
	s18 =	simm.s32 $0x1;
	[smem:$0x7FF] =	sst s1  }
0x4: {  	s3 =	sadd.s32 $0x434800, s0;
	s2 =	sand.u32 $0x1, s2;
	s4 =	sadd.s32 $0x34400, s0  }
0x5: {  	s5 =	sshll.u32 s5, $0x8;
	s7 =	sadd.s32 $0x34600, s0;
	s6 =	sshll.u32 s2, $0x7  }
0x6: {  	s8 =	sadd.s32 $0x34800, s0;
	s9 =	sadd.s32 $0xB4800, s0;
	s5 =	sor.u32 s6, s5  }
0x7: {  	_ =	strace $0x8000004A;
	s2 =	ssub.s32 $0x2, s2;
	s6 =	sshrl.u32 s5, $0x3  }
0x8: {  	s10 =	sshrl.u32 s2, $0x1;
	s12 =	sshll.u32 s5, $0x7;
	s11 =	sadd.s32 s4, s6  }
0x9: {  	s2 =	ssub.s32 s2, s10;
	s24 =	sadd.s32 s8, s12;
	[dreg:$0x2] =	wrdreg s11  }
0xa: {  	s5 =	sor.u32 $0x40, s5;
	s6 =	sadd.s32 s7, s6;
	[dreg:$0x3] =	wrdreg s24  }
0xb: {  	s25 =	sadd.s32 s9, s12;
	s26 =	sshrl.u32 s5, $0x3;
	[dreg:$0x4] =	wrdreg s6  }
0xc: {  	s29 =	sshll.u32 s5, $0x7;
	[dreg:$0x5] =	wrdreg s25;
	s28 =	sadd.s32 s4, s26  }
0xd: {  	s5 =	sadd.s32 $0x434A00, s0;
	s30 =	sadd.s32 s8, s29;
	[dreg:$0x6] =	wrdreg s28  }
0xe: {  	v2 =	vlaneseq.u32;
	s4 =	sadd.s32 $0x434900, s0;
	s7 =	sadd.s32 s7, s26;
	[dreg:$0x7] =	wrdreg s30  }
0xf: {  	vm0 =	vmmov $0xffff;
	v1 =	vshrl.u32 v2, $0x3;
	s6 =	sadd.s32 $0x434B00, s0;
	s31 =	sadd.s32 s9, s29;
	[dreg:$0x8] =	wrdreg s7  }
0x10: {  	v0 =	vand.u32 $0x7, v2;
	v2 =	vor.u32 $0x8, v2;
	v1 =	vmul.u32 $0x8, v1;
	s8 =	simm.s32 $0x2;
	[dreg:$0x9] =	wrdreg s31;
	s7 =	smax.u32 s2, $0x1  }
.LBB2_1:
0x11: {  	s19 =	rddreg [dreg:$0x2]  }
0x12: {  	[tilespmem:s1], [sflag:$0x2] =	stream.linear.gather [hbm4b:s19+s1], $0x40, $0x38;
	[tilespmem:$0x10080] =	vst v63  }
0x13: {  	_ =	swait.ge [sflag:s8], $0x40  }
0x14: {  	[sflag:s8] =	ssyncset.done $0x0  }
0x15: {  	[sflag:s8] =	ssyncadd.s32 $0xFFFFFFC0  }
0x16: {  	v3 =	vld [tilespmem:$0x0];
	_ =	sdelay $0x4  }
0x17: {  	v4 =	vshll.u32 v3, $0x3  }
0x18: {  	v3 =	vand.u32 $0x7, v3;
	v4 =	vand.u32 $0xFFFFFFC0, v4  }
0x19: {  	v3 =	vor.u32 v3, v4  }
0x1a: {  	v4 =	vperm.xlane v3, v0;
	_ =	sdelay $0x1  }
0x1b: {  	v4 =	vadd.s32 v1, v4;
	_ =	sdelay $0x4  }
0x1c: {  	[tilespmem:s23], [sflag:$0x1] =	stream.indirect_vreg.gather [hbm4b:s3+s1], $0x80, v4, vm0, $0xb8;
	[tilespmem:$0x10080] =	vst v63  }
0x1d: {  	s0 =	simm.s32 $0x880;
	v3 =	vperm.xlane v3, v2  }
0x1e: {  	[tilespmem:s0], [sflag:$0x1] =	stream.indirect_vreg.gather [hbm4b:s4+s1], $0x80, v4, vm0, $0xb8;
	[tilespmem:$0x10080] =	vst v63  }
0x1f: {  	s12 =	simm.s32 $0x1080;
	v3 =	vadd.s32 v1, v3  }
0x20: {  	[tilespmem:s12], [sflag:$0x1] =	stream.indirect_vreg.gather [hbm4b:s5+s1], $0x80, v4, vm0, $0xb8;
	[tilespmem:$0x10080] =	vst v63  }
0x21: {  	s13 =	simm.s32 $0x1880  }
0x22: {  	[tilespmem:s13], [sflag:$0x1] =	stream.indirect_vreg.gather [hbm4b:s6+s1], $0x80, v4, vm0, $0xb8;
	[tilespmem:$0x10080] =	vst v63  }
0x23: {  	s15 =	simm.s32 $0x2080  }
0x24: {  	[tilespmem:s15], [sflag:$0x1] =	stream.indirect_vreg.gather [hbm4b:s3+s1], $0x80, v3, vm0, $0xb8;
	[tilespmem:$0x10080] =	vst v63  }
0x25: {  	s16 =	simm.s32 $0x2880  }
0x26: {  	[tilespmem:s16], [sflag:$0x1] =	stream.indirect_vreg.gather [hbm4b:s4+s1], $0x80, v3, vm0, $0xb8;
	[tilespmem:$0x10080] =	vst v63  }
0x27: {  	s17 =	simm.s32 $0x3080  }
0x28: {  	[tilespmem:s17], [sflag:$0x1] =	stream.indirect_vreg.gather [hbm4b:s5+s1], $0x80, v3, vm0, $0xb8;
	[tilespmem:$0x10080] =	vst v63  }
0x29: {  	s19 =	simm.s32 $0x3880  }
0x2a: {  	[tilespmem:s19], [sflag:$0x1] =	stream.indirect_vreg.gather [hbm4b:s6+s1], $0x80, v3, vm0, $0xb8;
	[tilespmem:$0x10080] =	vst v63  }
0x2b: {  	v3 =	vld [tilespmem:$0x10];
	_ =	sdelay $0x4  }
0x2c: {  	v49 =	vshll.u32 v3, $0x3  }
0x2d: {  	v3 =	vand.u32 $0x7, v3;
	v4 =	vand.u32 $0xFFFFFFC0, v49  }
0x2e: {  	v3 =	vor.u32 v3, v4  }
0x2f: {  	v4 =	vperm.xlane v3, v0;
	_ =	sdelay $0x1  }
0x30: {  	v4 =	vadd.s32 v1, v4;
	_ =	sdelay $0x3  }
0x31: {  	s20 =	simm.s32 $0x4080  }
0x32: {  	[tilespmem:s20], [sflag:$0x1] =	stream.indirect_vreg.gather [hbm4b:s3+s1], $0x80, v4, vm0, $0xb8;
	[tilespmem:$0x10080] =	vst v63  }
0x33: {  	s21 =	simm.s32 $0x4880;
	v3 =	vperm.xlane v3, v2  }
0x34: {  	[tilespmem:s21], [sflag:$0x1] =	stream.indirect_vreg.gather [hbm4b:s4+s1], $0x80, v4, vm0, $0xb8;
	[tilespmem:$0x10080] =	vst v63  }
0x35: {  	s22 =	simm.s32 $0x5080;
	v3 =	vadd.s32 v1, v3  }
0x36: {  	[tilespmem:s22], [sflag:$0x1] =	stream.indirect_vreg.gather [hbm4b:s5+s1], $0x80, v4, vm0, $0xb8;
	[tilespmem:$0x10080] =	vst v63  }
0x37: {  	s24 =	simm.s32 $0x5880  }
0x38: {  	[tilespmem:s24], [sflag:$0x1] =	stream.indirect_vreg.gather [hbm4b:s6+s1], $0x80, v4, vm0, $0xb8;
	[tilespmem:$0x10080] =	vst v63  }
0x39: {  	s25 =	simm.s32 $0x6080  }
0x3a: {  	[tilespmem:s25], [sflag:$0x1] =	stream.indirect_vreg.gather [hbm4b:s3+s1], $0x80, v3, vm0, $0xb8;
	[tilespmem:$0x10080] =	vst v63  }
0x3b: {  	s26 =	simm.s32 $0x6880  }
0x3c: {  	[tilespmem:s26], [sflag:$0x1] =	stream.indirect_vreg.gather [hbm4b:s4+s1], $0x80, v3, vm0, $0xb8;
	[tilespmem:$0x10080] =	vst v63  }
0x3d: {  	s28 =	simm.s32 $0x7080  }
0x3e: {  	[tilespmem:s28], [sflag:$0x1] =	stream.indirect_vreg.gather [hbm4b:s5+s1], $0x80, v3, vm0, $0xb8;
	[tilespmem:$0x10080] =	vst v63  }
0x3f: {  	s29 =	simm.s32 $0x7880  }
0x40: {  	[tilespmem:s29], [sflag:$0x1] =	stream.indirect_vreg.gather [hbm4b:s6+s1], $0x80, v3, vm0, $0xb8;
	[tilespmem:$0x10080] =	vst v63  }
0x41: {  	v3 =	vld [tilespmem:$0x20];
	_ =	sdelay $0x4  }
0x42: {  	v50 =	vshll.u32 v3, $0x3  }
0x43: {  	v3 =	vand.u32 $0x7, v3;
	v4 =	vand.u32 $0xFFFFFFC0, v50  }
0x44: {  	v3 =	vor.u32 v3, v4  }
0x45: {  	v4 =	vperm.xlane v3, v0;
	_ =	sdelay $0x1  }
0x46: {  	v4 =	vadd.s32 v1, v4;
	_ =	sdelay $0x3  }
0x47: {  	s30 =	simm.s32 $0x8080  }
0x48: {  	[tilespmem:s30], [sflag:$0x1] =	stream.indirect_vreg.gather [hbm4b:s3+s1], $0x80, v4, vm0, $0xb8;
	[tilespmem:$0x10080] =	vst v63  }
0x49: {  	s16 =	simm.s32 $0x8880;
	v3 =	vperm.xlane v3, v2  }
0x4a: {  	[tilespmem:s16], [sflag:$0x1] =	stream.indirect_vreg.gather [hbm4b:s4+s1], $0x80, v4, vm0, $0xb8;
	[tilespmem:$0x10080] =	vst v63  }
0x4b: {  	s17 =	simm.s32 $0x9080;
	v3 =	vadd.s32 v1, v3  }
0x4c: {  	[tilespmem:s17], [sflag:$0x1] =	stream.indirect_vreg.gather [hbm4b:s5+s1], $0x80, v4, vm0, $0xb8;
	[tilespmem:$0x10080] =	vst v63  }
0x4d: {  	s19 =	simm.s32 $0x9880  }
0x4e: {  	[tilespmem:s19], [sflag:$0x1] =	stream.indirect_vreg.gather [hbm4b:s6+s1], $0x80, v4, vm0, $0xb8;
	[tilespmem:$0x10080] =	vst v63  }
0x4f: {  	s20 =	simm.s32 $0xA080  }
0x50: {  	[tilespmem:s20], [sflag:$0x1] =	stream.indirect_vreg.gather [hbm4b:s3+s1], $0x80, v3, vm0, $0xb8;
	[tilespmem:$0x10080] =	vst v63  }
0x51: {  	s21 =	simm.s32 $0xA880  }
0x52: {  	[tilespmem:s21], [sflag:$0x1] =	stream.indirect_vreg.gather [hbm4b:s4+s1], $0x80, v3, vm0, $0xb8;
	[tilespmem:$0x10080] =	vst v63  }
0x53: {  	s22 =	simm.s32 $0xB080  }
0x54: {  	[tilespmem:s22], [sflag:$0x1] =	stream.indirect_vreg.gather [hbm4b:s5+s1], $0x80, v3, vm0, $0xb8;
	[tilespmem:$0x10080] =	vst v63  }
0x55: {  	s24 =	simm.s32 $0xB880  }
0x56: {  	[tilespmem:s24], [sflag:$0x1] =	stream.indirect_vreg.gather [hbm4b:s6+s1], $0x80, v3, vm0, $0xb8;
	[tilespmem:$0x10080] =	vst v63  }
0x57: {  	v3 =	vld [tilespmem:$0x30];
	_ =	sdelay $0x4  }
0x58: {  	v51 =	vshll.u32 v3, $0x3  }
0x59: {  	v3 =	vand.u32 $0x7, v3;
	v4 =	vand.u32 $0xFFFFFFC0, v51  }
0x5a: {  	v3 =	vor.u32 v3, v4  }
0x5b: {  	v4 =	vperm.xlane v3, v0;
	_ =	sdelay $0x1  }
0x5c: {  	v4 =	vadd.s32 v1, v4;
	_ =	sdelay $0x3  }
0x5d: {  	s25 =	simm.s32 $0xC080  }
0x5e: {  	[tilespmem:s25], [sflag:$0x1] =	stream.indirect_vreg.gather [hbm4b:s3+s1], $0x80, v4, vm0, $0xb8;
	[tilespmem:$0x10080] =	vst v63  }
0x5f: {  	s26 =	simm.s32 $0xC880;
	v3 =	vperm.xlane v3, v2  }
0x60: {  	[tilespmem:s26], [sflag:$0x1] =	stream.indirect_vreg.gather [hbm4b:s4+s1], $0x80, v4, vm0, $0xb8;
	[tilespmem:$0x10080] =	vst v63  }
0x61: {  	s29 =	simm.s32 $0xD080;
	v3 =	vadd.s32 v1, v3  }
0x62: {  	[tilespmem:s29], [sflag:$0x1] =	stream.indirect_vreg.gather [hbm4b:s5+s1], $0x80, v4, vm0, $0xb8;
	[tilespmem:$0x10080] =	vst v63  }
0x63: {  	s0 =	simm.s32 $0xD880  }
0x64: {  	[tilespmem:s0], [sflag:$0x1] =	stream.indirect_vreg.gather [hbm4b:s6+s1], $0x80, v4, vm0, $0xb8;
	[tilespmem:$0x10080] =	vst v63  }
0x65: {  	s16 =	simm.s32 $0xE080  }
0x66: {  	[tilespmem:s16], [sflag:$0x1] =	stream.indirect_vreg.gather [hbm4b:s3+s1], $0x80, v3, vm0, $0xb8;
	[tilespmem:$0x10080] =	vst v63  }
0x67: {  	s17 =	simm.s32 $0xE880  }
0x68: {  	[tilespmem:s17], [sflag:$0x1] =	stream.indirect_vreg.gather [hbm4b:s4+s1], $0x80, v3, vm0, $0xb8;
	[tilespmem:$0x10080] =	vst v63  }
0x69: {  	s24 =	simm.s32 $0xF080  }
0x6a: {  	[tilespmem:s24], [sflag:$0x1] =	stream.indirect_vreg.gather [hbm4b:s5+s1], $0x80, v3, vm0, $0xb8;
	[tilespmem:$0x10080] =	vst v63  }
0x6b: {  	s25 =	simm.s32 $0xF880  }
0x6c: {  	[tilespmem:s25], [sflag:$0x1] =	stream.indirect_vreg.gather [hbm4b:s6+s1], $0x80, v3, vm0, $0xb8;
	[tilespmem:$0x10080] =	vst v63  }
0x6d: {  	_ =	swait.ge [sflag:s18], $0x10000  }
0x6e: {  	[sflag:s18] =	ssyncset.done $0x0  }
0x6f: {  	s0 =	rddreg [dreg:$0x3];
	[sflag:s18] =	ssyncadd.s32 $0xFFFF0000  }
0x70: {  	[hbm4b:s0+s1] =	stream.linear.scatter [tilespmem:s23], [sflag:$0x2], $0x10000, $0x38;
	[tilespmem:$0x10080] =	vst v63  }
0x71: {  	_ =	swait.ge [sflag:s8], $0x10000  }
0x72: {  	[sflag:s8] =	ssyncset.done $0x0  }
0x73: {  	s16 =	rddreg [dreg:$0x4];
	[sflag:s8] =	ssyncadd.s32 $0xFFFF0000  }
0x74: {  	[tilespmem:s1], [sflag:$0x2] =	stream.linear.gather [hbm4b:s16+s1], $0x40, $0x38;
	[tilespmem:$0x10080] =	vst v63  }
0x75: {  	_ =	swait.ge [sflag:s8], $0x40  }
0x76: {  	[sflag:s8] =	ssyncset.done $0x0  }
0x77: {  	[sflag:s8] =	ssyncadd.s32 $0xFFFFFFC0  }
0x78: {  	v3 =	vld [tilespmem:$0x0];
	_ =	sdelay $0x4  }
0x79: {  	v52 =	vshll.u32 v3, $0x3  }
0x7a: {  	v3 =	vand.u32 $0x7, v3;
	v4 =	vand.u32 $0xFFFFFFC0, v52  }
0x7b: {  	v3 =	vor.u32 v3, v4  }
0x7c: {  	v4 =	vperm.xlane v3, v0;
	_ =	sdelay $0x1  }
0x7d: {  	v4 =	vadd.s32 v1, v4;
	_ =	sdelay $0x4  }
0x7e: {  	[tilespmem:s23], [sflag:$0x1] =	stream.indirect_vreg.gather [hbm4b:s3+s1], $0x80, v4, vm0, $0xb8;
	[tilespmem:$0x10080] =	vst v63  }
0x7f: {  	s14 =	simm.s32 $0x880;
	v3 =	vperm.xlane v3, v2  }
0x80: {  	[tilespmem:s14], [sflag:$0x1] =	stream.indirect_vreg.gather [hbm4b:s4+s1], $0x80, v4, vm0, $0xb8;
	[tilespmem:$0x10080] =	vst v63  }
0x81: {  	s2 =	simm.s32 $0x1080;
	v3 =	vadd.s32 v1, v3  }
0x82: {  	[tilespmem:s2], [sflag:$0x1] =	stream.indirect_vreg.gather [hbm4b:s5+s1], $0x80, v4, vm0, $0xb8;
	[tilespmem:$0x10080] =	vst v63  }
0x83: {  	s9 =	simm.s32 $0x1880  }
0x84: {  	[tilespmem:s9], [sflag:$0x1] =	stream.indirect_vreg.gather [hbm4b:s6+s1], $0x80, v4, vm0, $0xb8;
	[tilespmem:$0x10080] =	vst v63  }
0x85: {  	s10 =	simm.s32 $0x2080  }
0x86: {  	[tilespmem:s10], [sflag:$0x1] =	stream.indirect_vreg.gather [hbm4b:s3+s1], $0x80, v3, vm0, $0xb8;
	[tilespmem:$0x10080] =	vst v63  }
0x87: {  	s11 =	simm.s32 $0x2880  }
0x88: {  	[tilespmem:s11], [sflag:$0x1] =	stream.indirect_vreg.gather [hbm4b:s4+s1], $0x80, v3, vm0, $0xb8;
	[tilespmem:$0x10080] =	vst v63  }
0x89: {  	s12 =	simm.s32 $0x3080  }
0x8a: {  	[tilespmem:s12], [sflag:$0x1] =	stream.indirect_vreg.gather [hbm4b:s5+s1], $0x80, v3, vm0, $0xb8;
	[tilespmem:$0x10080] =	vst v63  }
0x8b: {  	s15 =	simm.s32 $0x3880  }
0x8c: {  	[tilespmem:s15], [sflag:$0x1] =	stream.indirect_vreg.gather [hbm4b:s6+s1], $0x80, v3, vm0, $0xb8;
	[tilespmem:$0x10080] =	vst v63  }
0x8d: {  	v3 =	vld [tilespmem:$0x10];
	_ =	sdelay $0x4  }
0x8e: {  	v53 =	vshll.u32 v3, $0x3  }
0x8f: {  	v3 =	vand.u32 $0x7, v3;
	v4 =	vand.u32 $0xFFFFFFC0, v53  }
0x90: {  	v3 =	vor.u32 v3, v4  }
0x91: {  	v4 =	vperm.xlane v3, v0;
	_ =	sdelay $0x1  }
0x92: {  	v4 =	vadd.s32 v1, v4;
	_ =	sdelay $0x3  }
0x93: {  	s16 =	simm.s32 $0x4080  }
0x94: {  	[tilespmem:s16], [sflag:$0x1] =	stream.indirect_vreg.gather [hbm4b:s3+s1], $0x80, v4, vm0, $0xb8;
	[tilespmem:$0x10080] =	vst v63  }
0x95: {  	s31 =	simm.s32 $0x4880;
	v3 =	vperm.xlane v3, v2  }
0x96: {  	[tilespmem:s31], [sflag:$0x1] =	stream.indirect_vreg.gather [hbm4b:s4+s1], $0x80, v4, vm0, $0xb8;
	[tilespmem:$0x10080] =	vst v63  }
0x97: {  	s13 =	simm.s32 $0x5080;
	v3 =	vadd.s32 v1, v3  }
0x98: {  	[tilespmem:s13], [sflag:$0x1] =	stream.indirect_vreg.gather [hbm4b:s5+s1], $0x80, v4, vm0, $0xb8;
	[tilespmem:$0x10080] =	vst v63  }
0x99: {  	s31 =	simm.s32 $0x5880  }
0x9a: {  	[tilespmem:s31], [sflag:$0x1] =	stream.indirect_vreg.gather [hbm4b:s6+s1], $0x80, v4, vm0, $0xb8;
	[tilespmem:$0x10080] =	vst v63  }
0x9b: {  	s0 =	simm.s32 $0x6080  }
0x9c: {  	[tilespmem:s0], [sflag:$0x1] =	stream.indirect_vreg.gather [hbm4b:s3+s1], $0x80, v3, vm0, $0xb8;
	[tilespmem:$0x10080] =	vst v63  }
0x9d: {  	s2 =	simm.s32 $0x6880  }
0x9e: {  	[tilespmem:s2], [sflag:$0x1] =	stream.indirect_vreg.gather [hbm4b:s4+s1], $0x80, v3, vm0, $0xb8;
	[tilespmem:$0x10080] =	vst v63  }
0x9f: {  	s9 =	simm.s32 $0x7080  }
0xa0: {  	[tilespmem:s9], [sflag:$0x1] =	stream.indirect_vreg.gather [hbm4b:s5+s1], $0x80, v3, vm0, $0xb8;
	[tilespmem:$0x10080] =	vst v63  }
0xa1: {  	s13 =	simm.s32 $0x7880  }
0xa2: {  	[tilespmem:s13], [sflag:$0x1] =	stream.indirect_vreg.gather [hbm4b:s6+s1], $0x80, v3, vm0, $0xb8;
	[tilespmem:$0x10080] =	vst v63  }
0xa3: {  	v3 =	vld [tilespmem:$0x20];
	_ =	sdelay $0x4  }
0xa4: {  	v54 =	vshll.u32 v3, $0x3  }
0xa5: {  	v3 =	vand.u32 $0x7, v3;
	v4 =	vand.u32 $0xFFFFFFC0, v54  }
0xa6: {  	v3 =	vor.u32 v3, v4  }
0xa7: {  	v4 =	vperm.xlane v3, v0;
	_ =	sdelay $0x1  }
0xa8: {  	v4 =	vadd.s32 v1, v4;
	_ =	sdelay $0x3  }
0xa9: {  	s14 =	simm.s32 $0x8080  }
0xaa: {  	[tilespmem:s14], [sflag:$0x1] =	stream.indirect_vreg.gather [hbm4b:s3+s1], $0x80, v4, vm0, $0xb8;
	[tilespmem:$0x10080] =	vst v63  }
0xab: {  	s15 =	simm.s32 $0x8880;
	v3 =	vperm.xlane v3, v2  }
0xac: {  	[tilespmem:s15], [sflag:$0x1] =	stream.indirect_vreg.gather [hbm4b:s4+s1], $0x80, v4, vm0, $0xb8;
	[tilespmem:$0x10080] =	vst v63  }
0xad: {  	s10 =	simm.s32 $0x9080;
	v3 =	vadd.s32 v1, v3  }
0xae: {  	[tilespmem:s10], [sflag:$0x1] =	stream.indirect_vreg.gather [hbm4b:s5+s1], $0x80, v4, vm0, $0xb8;
	[tilespmem:$0x10080] =	vst v63  }
0xaf: {  	s11 =	simm.s32 $0x9880  }
0xb0: {  	[tilespmem:s11], [sflag:$0x1] =	stream.indirect_vreg.gather [hbm4b:s6+s1], $0x80, v4, vm0, $0xb8;
	[tilespmem:$0x10080] =	vst v63  }
0xb1: {  	s12 =	simm.s32 $0xA080  }
0xb2: {  	[tilespmem:s12], [sflag:$0x1] =	stream.indirect_vreg.gather [hbm4b:s3+s1], $0x80, v3, vm0, $0xb8;
	[tilespmem:$0x10080] =	vst v63  }
0xb3: {  	s30 =	simm.s32 $0xA880  }
0xb4: {  	[tilespmem:s30], [sflag:$0x1] =	stream.indirect_vreg.gather [hbm4b:s4+s1], $0x80, v3, vm0, $0xb8;
	[tilespmem:$0x10080] =	vst v63  }
0xb5: {  	s28 =	simm.s32 $0xB080  }
0xb6: {  	[tilespmem:s28], [sflag:$0x1] =	stream.indirect_vreg.gather [hbm4b:s5+s1], $0x80, v3, vm0, $0xb8;
	[tilespmem:$0x10080] =	vst v63  }
0xb7: {  	s20 =	simm.s32 $0xB880  }
0xb8: {  	[tilespmem:s20], [sflag:$0x1] =	stream.indirect_vreg.gather [hbm4b:s6+s1], $0x80, v3, vm0, $0xb8;
	[tilespmem:$0x10080] =	vst v63  }
0xb9: {  	v3 =	vld [tilespmem:$0x30];
	_ =	sdelay $0x4  }
0xba: {  	v55 =	vshll.u32 v3, $0x3  }
0xbb: {  	v3 =	vand.u32 $0x7, v3;
	v4 =	vand.u32 $0xFFFFFFC0, v55  }
0xbc: {  	v3 =	vor.u32 v3, v4  }
0xbd: {  	v4 =	vperm.xlane v3, v0;
	_ =	sdelay $0x1  }
0xbe: {  	v4 =	vadd.s32 v1, v4;
	_ =	sdelay $0x3  }
0xbf: {  	s21 =	simm.s32 $0xC080  }
0xc0: {  	[tilespmem:s21], [sflag:$0x1] =	stream.indirect_vreg.gather [hbm4b:s3+s1], $0x80, v4, vm0, $0xb8;
	[tilespmem:$0x10080] =	vst v63  }
0xc1: {  	s22 =	simm.s32 $0xC880;
	v3 =	vperm.xlane v3, v2  }
0xc2: {  	[tilespmem:s22], [sflag:$0x1] =	stream.indirect_vreg.gather [hbm4b:s4+s1], $0x80, v4, vm0, $0xb8;
	[tilespmem:$0x10080] =	vst v63  }
0xc3: {  	v3 =	vadd.s32 v1, v3;
	s22 =	simm.s32 $0xD080  }
0xc4: {  	[tilespmem:s22], [sflag:$0x1] =	stream.indirect_vreg.gather [hbm4b:s5+s1], $0x80, v4, vm0, $0xb8;
	[tilespmem:$0x10080] =	vst v63  }
0xc5: {  	s26 =	simm.s32 $0xD880  }
0xc6: {  	[tilespmem:s26], [sflag:$0x1] =	stream.indirect_vreg.gather [hbm4b:s6+s1], $0x80, v4, vm0, $0xb8;
	[tilespmem:$0x10080] =	vst v63  }
0xc7: {  	s29 =	simm.s32 $0xE080  }
0xc8: {  	[tilespmem:s29], [sflag:$0x1] =	stream.indirect_vreg.gather [hbm4b:s3+s1], $0x80, v3, vm0, $0xb8;
	[tilespmem:$0x10080] =	vst v63  }
0xc9: {  	s26 =	simm.s32 $0xE880  }
0xca: {  	[tilespmem:s26], [sflag:$0x1] =	stream.indirect_vreg.gather [hbm4b:s4+s1], $0x80, v3, vm0, $0xb8;
	[tilespmem:$0x10080] =	vst v63  }
0xcb: {  	s30 =	simm.s32 $0xF080  }
0xcc: {  	[tilespmem:s30], [sflag:$0x1] =	stream.indirect_vreg.gather [hbm4b:s5+s1], $0x80, v3, vm0, $0xb8;
	[tilespmem:$0x10080] =	vst v63  }
0xcd: {  	s17 =	simm.s32 $0xF880  }
0xce: {  	[tilespmem:s17], [sflag:$0x1] =	stream.indirect_vreg.gather [hbm4b:s6+s1], $0x80, v3, vm0, $0xb8;
	[tilespmem:$0x10080] =	vst v63  }
0xcf: {  	_ =	swait.ge [sflag:s18], $0x10000  }
0xd0: {  	[sflag:s18] =	ssyncset.done $0x0  }
0xd1: {  	s21 =	rddreg [dreg:$0x5];
	[sflag:s18] =	ssyncadd.s32 $0xFFFF0000  }
0xd2: {  	[hbm4b:s21+s1] =	stream.linear.scatter [tilespmem:s23], [sflag:$0x2], $0x10000, $0x38;
	[tilespmem:$0x10080] =	vst v63  }
0xd3: {  	_ =	swait.ge [sflag:s8], $0x10000  }
0xd4: {  	[sflag:s8] =	ssyncset.done $0x0  }
0xd5: {  	s17 =	rddreg [dreg:$0x6];
	[sflag:s8] =	ssyncadd.s32 $0xFFFF0000  }
0xd6: {  	[tilespmem:s1], [sflag:$0x2] =	stream.linear.gather [hbm4b:s17+s1], $0x40, $0x38;
	[tilespmem:$0x10080] =	vst v63  }
0xd7: {  	_ =	swait.ge [sflag:s8], $0x40  }
0xd8: {  	[sflag:s8] =	ssyncset.done $0x0  }
0xd9: {  	[sflag:s8] =	ssyncadd.s32 $0xFFFFFFC0  }
0xda: {  	v3 =	vld [tilespmem:$0x0];
	_ =	sdelay $0x4  }
0xdb: {  	v56 =	vshll.u32 v3, $0x3  }
0xdc: {  	v3 =	vand.u32 $0x7, v3;
	v4 =	vand.u32 $0xFFFFFFC0, v56  }
0xdd: {  	v3 =	vor.u32 v3, v4  }
0xde: {  	v4 =	vperm.xlane v3, v0;
	_ =	sdelay $0x1  }
0xdf: {  	v4 =	vadd.s32 v1, v4;
	_ =	sdelay $0x4  }
0xe0: {  	[tilespmem:s23], [sflag:$0x1] =	stream.indirect_vreg.gather [hbm4b:s3+s1], $0x80, v4, vm0, $0xb8;
	[tilespmem:$0x10080] =	vst v63  }
0xe1: {  	s21 =	simm.s32 $0x880;
	v3 =	vperm.xlane v3, v2  }
0xe2: {  	[tilespmem:s21], [sflag:$0x1] =	stream.indirect_vreg.gather [hbm4b:s4+s1], $0x80, v4, vm0, $0xb8;
	[tilespmem:$0x10080] =	vst v63  }
0xe3: {  	s25 =	simm.s32 $0x1080;
	v3 =	vadd.s32 v1, v3  }
0xe4: {  	[tilespmem:s25], [sflag:$0x1] =	stream.indirect_vreg.gather [hbm4b:s5+s1], $0x80, v4, vm0, $0xb8;
	[tilespmem:$0x10080] =	vst v63  }
0xe5: {  	s25 =	simm.s32 $0x1880  }
0xe6: {  	[tilespmem:s25], [sflag:$0x1] =	stream.indirect_vreg.gather [hbm4b:s6+s1], $0x80, v4, vm0, $0xb8;
	[tilespmem:$0x10080] =	vst v63  }
0xe7: {  	s19 =	simm.s32 $0x2080  }
0xe8: {  	[tilespmem:s19], [sflag:$0x1] =	stream.indirect_vreg.gather [hbm4b:s3+s1], $0x80, v3, vm0, $0xb8;
	[tilespmem:$0x10080] =	vst v63  }
0xe9: {  	s25 =	simm.s32 $0x2880  }
0xea: {  	[tilespmem:s25], [sflag:$0x1] =	stream.indirect_vreg.gather [hbm4b:s4+s1], $0x80, v3, vm0, $0xb8;
	[tilespmem:$0x10080] =	vst v63  }
0xeb: {  	s19 =	simm.s32 $0x3080  }
0xec: {  	[tilespmem:s19], [sflag:$0x1] =	stream.indirect_vreg.gather [hbm4b:s5+s1], $0x80, v3, vm0, $0xb8;
	[tilespmem:$0x10080] =	vst v63  }
0xed: {  	s25 =	simm.s32 $0x3880  }
0xee: {  	[tilespmem:s25], [sflag:$0x1] =	stream.indirect_vreg.gather [hbm4b:s6+s1], $0x80, v3, vm0, $0xb8;
	[tilespmem:$0x10080] =	vst v63  }
0xef: {  	v3 =	vld [tilespmem:$0x10];
	_ =	sdelay $0x4  }
0xf0: {  	v57 =	vshll.u32 v3, $0x3  }
0xf1: {  	v3 =	vand.u32 $0x7, v3;
	v4 =	vand.u32 $0xFFFFFFC0, v57  }
0xf2: {  	v3 =	vor.u32 v3, v4  }
0xf3: {  	v4 =	vperm.xlane v3, v0;
	_ =	sdelay $0x1  }
0xf4: {  	v4 =	vadd.s32 v1, v4;
	_ =	sdelay $0x4  }
0xf5: {  	[tilespmem:s16], [sflag:$0x1] =	stream.indirect_vreg.gather [hbm4b:s3+s1], $0x80, v4, vm0, $0xb8;
	[tilespmem:$0x10080] =	vst v63  }
0xf6: {  	s19 =	simm.s32 $0x4880;
	v3 =	vperm.xlane v3, v2  }
0xf7: {  	[tilespmem:s19], [sflag:$0x1] =	stream.indirect_vreg.gather [hbm4b:s4+s1], $0x80, v4, vm0, $0xb8;
	[tilespmem:$0x10080] =	vst v63  }
0xf8: {  	s25 =	simm.s32 $0x5080;
	v3 =	vadd.s32 v1, v3  }
0xf9: {  	[tilespmem:s25], [sflag:$0x1] =	stream.indirect_vreg.gather [hbm4b:s5+s1], $0x80, v4, vm0, $0xb8;
	[tilespmem:$0x10080] =	vst v63  }
0xfa: {  	_ = 	snop  }
0xfb: {  	[tilespmem:s31], [sflag:$0x1] =	stream.indirect_vreg.gather [hbm4b:s6+s1], $0x80, v4, vm0, $0xb8;
	[tilespmem:$0x10080] =	vst v63  }
0xfc: {  	_ = 	snop  }
0xfd: {  	[tilespmem:s0], [sflag:$0x1] =	stream.indirect_vreg.gather [hbm4b:s3+s1], $0x80, v3, vm0, $0xb8;
	[tilespmem:$0x10080] =	vst v63  }
0xfe: {  	_ = 	snop  }
0xff: {  	[tilespmem:s2], [sflag:$0x1] =	stream.indirect_vreg.gather [hbm4b:s4+s1], $0x80, v3, vm0, $0xb8;
	[tilespmem:$0x10080] =	vst v63  }
0x100: {  	_ = 	snop  }
0x101: {  	[tilespmem:s9], [sflag:$0x1] =	stream.indirect_vreg.gather [hbm4b:s5+s1], $0x80, v3, vm0, $0xb8;
	[tilespmem:$0x10080] =	vst v63  }
0x102: {  	_ = 	snop  }
0x103: {  	[tilespmem:s13], [sflag:$0x1] =	stream.indirect_vreg.gather [hbm4b:s6+s1], $0x80, v3, vm0, $0xb8;
	[tilespmem:$0x10080] =	vst v63  }
0x104: {  	v3 =	vld [tilespmem:$0x20];
	_ =	sdelay $0x4  }
0x105: {  	v58 =	vshll.u32 v3, $0x3  }
0x106: {  	v3 =	vand.u32 $0x7, v3;
	v4 =	vand.u32 $0xFFFFFFC0, v58  }
0x107: {  	v3 =	vor.u32 v3, v4  }
0x108: {  	v4 =	vperm.xlane v3, v0;
	_ =	sdelay $0x1  }
0x109: {  	v4 =	vadd.s32 v1, v4;
	_ =	sdelay $0x4  }
0x10a: {  	[tilespmem:s14], [sflag:$0x1] =	stream.indirect_vreg.gather [hbm4b:s3+s1], $0x80, v4, vm0, $0xb8;
	[tilespmem:$0x10080] =	vst v63  }
0x10b: {  	v3 =	vperm.xlane v3, v2  }
0x10c: {  	[tilespmem:s15], [sflag:$0x1] =	stream.indirect_vreg.gather [hbm4b:s4+s1], $0x80, v4, vm0, $0xb8;
	[tilespmem:$0x10080] =	vst v63  }
0x10d: {  	v3 =	vadd.s32 v1, v3  }
0x10e: {  	[tilespmem:s10], [sflag:$0x1] =	stream.indirect_vreg.gather [hbm4b:s5+s1], $0x80, v4, vm0, $0xb8;
	[tilespmem:$0x10080] =	vst v63  }
0x10f: {  	_ = 	snop  }
0x110: {  	[tilespmem:s11], [sflag:$0x1] =	stream.indirect_vreg.gather [hbm4b:s6+s1], $0x80, v4, vm0, $0xb8;
	[tilespmem:$0x10080] =	vst v63  }
0x111: {  	_ = 	snop  }
0x112: {  	[tilespmem:s12], [sflag:$0x1] =	stream.indirect_vreg.gather [hbm4b:s3+s1], $0x80, v3, vm0, $0xb8;
	[tilespmem:$0x10080] =	vst v63  }
0x113: {  	s24 =	simm.s32 $0xA880  }
0x114: {  	[tilespmem:s24], [sflag:$0x1] =	stream.indirect_vreg.gather [hbm4b:s4+s1], $0x80, v3, vm0, $0xb8;
	[tilespmem:$0x10080] =	vst v63  }
0x115: {  	s28 =	simm.s32 $0xB080  }
0x116: {  	[tilespmem:s28], [sflag:$0x1] =	stream.indirect_vreg.gather [hbm4b:s5+s1], $0x80, v3, vm0, $0xb8;
	[tilespmem:$0x10080] =	vst v63  }
0x117: {  	s28 =	simm.s32 $0xB880  }
0x118: {  	[tilespmem:s28], [sflag:$0x1] =	stream.indirect_vreg.gather [hbm4b:s6+s1], $0x80, v3, vm0, $0xb8;
	[tilespmem:$0x10080] =	vst v63  }
0x119: {  	v3 =	vld [tilespmem:$0x30];
	_ =	sdelay $0x4  }
0x11a: {  	v59 =	vshll.u32 v3, $0x3  }
0x11b: {  	v3 =	vand.u32 $0x7, v3;
	v4 =	vand.u32 $0xFFFFFFC0, v59  }
0x11c: {  	v3 =	vor.u32 v3, v4  }
0x11d: {  	v4 =	vperm.xlane v3, v0;
	_ =	sdelay $0x1  }
0x11e: {  	v4 =	vadd.s32 v1, v4;
	_ =	sdelay $0x3  }
0x11f: {  	s24 =	simm.s32 $0xC080  }
0x120: {  	[tilespmem:s24], [sflag:$0x1] =	stream.indirect_vreg.gather [hbm4b:s3+s1], $0x80, v4, vm0, $0xb8;
	[tilespmem:$0x10080] =	vst v63  }
0x121: {  	s25 =	simm.s32 $0xC880;
	v3 =	vperm.xlane v3, v2  }
0x122: {  	[tilespmem:s25], [sflag:$0x1] =	stream.indirect_vreg.gather [hbm4b:s4+s1], $0x80, v4, vm0, $0xb8;
	[tilespmem:$0x10080] =	vst v63  }
0x123: {  	s20 =	simm.s32 $0xD080;
	v3 =	vadd.s32 v1, v3  }
0x124: {  	[tilespmem:s20], [sflag:$0x1] =	stream.indirect_vreg.gather [hbm4b:s5+s1], $0x80, v4, vm0, $0xb8;
	[tilespmem:$0x10080] =	vst v63  }
0x125: {  	s22 =	simm.s32 $0xD880  }
0x126: {  	[tilespmem:s22], [sflag:$0x1] =	stream.indirect_vreg.gather [hbm4b:s6+s1], $0x80, v4, vm0, $0xb8;
	[tilespmem:$0x10080] =	vst v63  }
0x127: {  	s29 =	simm.s32 $0xE080  }
0x128: {  	[tilespmem:s29], [sflag:$0x1] =	stream.indirect_vreg.gather [hbm4b:s3+s1], $0x80, v3, vm0, $0xb8;
	[tilespmem:$0x10080] =	vst v63  }
0x129: {  	s26 =	simm.s32 $0xE880  }
0x12a: {  	[tilespmem:s26], [sflag:$0x1] =	stream.indirect_vreg.gather [hbm4b:s4+s1], $0x80, v3, vm0, $0xb8;
	[tilespmem:$0x10080] =	vst v63  }
0x12b: {  	s30 =	simm.s32 $0xF080  }
0x12c: {  	[tilespmem:s30], [sflag:$0x1] =	stream.indirect_vreg.gather [hbm4b:s5+s1], $0x80, v3, vm0, $0xb8;
	[tilespmem:$0x10080] =	vst v63  }
0x12d: {  	s26 =	simm.s32 $0xF880  }
0x12e: {  	[tilespmem:s26], [sflag:$0x1] =	stream.indirect_vreg.gather [hbm4b:s6+s1], $0x80, v3, vm0, $0xb8;
	[tilespmem:$0x10080] =	vst v63  }
0x12f: {  	_ =	swait.ge [sflag:s18], $0x10000  }
0x130: {  	[sflag:s18] =	ssyncset.done $0x0  }
0x131: {  	s29 =	rddreg [dreg:$0x7];
	[sflag:s18] =	ssyncadd.s32 $0xFFFF0000  }
0x132: {  	[hbm4b:s29+s1] =	stream.linear.scatter [tilespmem:s23], [sflag:$0x2], $0x10000, $0x38;
	[tilespmem:$0x10080] =	vst v63  }
0x133: {  	_ =	swait.ge [sflag:s8], $0x10000  }
0x134: {  	[sflag:s8] =	ssyncset.done $0x0  }
0x135: {  	s30 =	rddreg [dreg:$0x8];
	[sflag:s8] =	ssyncadd.s32 $0xFFFF0000  }
0x136: {  	[tilespmem:s1], [sflag:$0x2] =	stream.linear.gather [hbm4b:s30+s1], $0x40, $0x38;
	[tilespmem:$0x10080] =	vst v63  }
0x137: {  	_ =	swait.ge [sflag:s8], $0x40  }
0x138: {  	[sflag:s8] =	ssyncset.done $0x0  }
0x139: {  	[sflag:s8] =	ssyncadd.s32 $0xFFFFFFC0  }
0x13a: {  	v3 =	vld [tilespmem:$0x0];
	_ =	sdelay $0x4  }
0x13b: {  	v60 =	vshll.u32 v3, $0x3  }
0x13c: {  	v3 =	vand.u32 $0x7, v3;
	v4 =	vand.u32 $0xFFFFFFC0, v60  }
0x13d: {  	v3 =	vor.u32 v3, v4  }
0x13e: {  	v4 =	vperm.xlane v3, v0;
	_ =	sdelay $0x1  }
0x13f: {  	v4 =	vadd.s32 v1, v4;
	_ =	sdelay $0x4  }
0x140: {  	[tilespmem:s23], [sflag:$0x1] =	stream.indirect_vreg.gather [hbm4b:s3+s1], $0x80, v4, vm0, $0xb8;
	[tilespmem:$0x10080] =	vst v63  }
0x141: {  	s29 =	simm.s32 $0x880;
	v3 =	vperm.xlane v3, v2  }
0x142: {  	[tilespmem:s29], [sflag:$0x1] =	stream.indirect_vreg.gather [hbm4b:s4+s1], $0x80, v4, vm0, $0xb8;
	[tilespmem:$0x10080] =	vst v63  }
0x143: {  	s21 =	simm.s32 $0x1080;
	v3 =	vadd.s32 v1, v3  }
0x144: {  	[tilespmem:s21], [sflag:$0x1] =	stream.indirect_vreg.gather [hbm4b:s5+s1], $0x80, v4, vm0, $0xb8;
	[tilespmem:$0x10080] =	vst v63  }
0x145: {  	s30 =	simm.s32 $0x1880  }
0x146: {  	[tilespmem:s30], [sflag:$0x1] =	stream.indirect_vreg.gather [hbm4b:s6+s1], $0x80, v4, vm0, $0xb8;
	[tilespmem:$0x10080] =	vst v63  }
0x147: {  	s21 =	simm.s32 $0x2080  }
0x148: {  	[tilespmem:s21], [sflag:$0x1] =	stream.indirect_vreg.gather [hbm4b:s3+s1], $0x80, v3, vm0, $0xb8;
	[tilespmem:$0x10080] =	vst v63  }
0x149: {  	s29 =	simm.s32 $0x2880  }
0x14a: {  	[tilespmem:s29], [sflag:$0x1] =	stream.indirect_vreg.gather [hbm4b:s4+s1], $0x80, v3, vm0, $0xb8;
	[tilespmem:$0x10080] =	vst v63  }
0x14b: {  	s30 =	simm.s32 $0x3080  }
0x14c: {  	[tilespmem:s30], [sflag:$0x1] =	stream.indirect_vreg.gather [hbm4b:s5+s1], $0x80, v3, vm0, $0xb8;
	[tilespmem:$0x10080] =	vst v63  }
0x14d: {  	s21 =	simm.s32 $0x3880  }
0x14e: {  	[tilespmem:s21], [sflag:$0x1] =	stream.indirect_vreg.gather [hbm4b:s6+s1], $0x80, v3, vm0, $0xb8;
	[tilespmem:$0x10080] =	vst v63  }
0x14f: {  	v3 =	vld [tilespmem:$0x10];
	_ =	sdelay $0x4  }
0x150: {  	v61 =	vshll.u32 v3, $0x3  }
0x151: {  	v3 =	vand.u32 $0x7, v3;
	v4 =	vand.u32 $0xFFFFFFC0, v61  }
0x152: {  	v3 =	vor.u32 v3, v4  }
0x153: {  	v4 =	vperm.xlane v3, v0;
	_ =	sdelay $0x1  }
0x154: {  	v4 =	vadd.s32 v1, v4;
	_ =	sdelay $0x3  }
0x155: {  	s16 =	simm.s32 $0x4080  }
0x156: {  	[tilespmem:s16], [sflag:$0x1] =	stream.indirect_vreg.gather [hbm4b:s3+s1], $0x80, v4, vm0, $0xb8;
	[tilespmem:$0x10080] =	vst v63  }
0x157: {  	s29 =	simm.s32 $0x4880;
	v3 =	vperm.xlane v3, v2  }
0x158: {  	[tilespmem:s29], [sflag:$0x1] =	stream.indirect_vreg.gather [hbm4b:s4+s1], $0x80, v4, vm0, $0xb8;
	[tilespmem:$0x10080] =	vst v63  }
0x159: {  	s30 =	simm.s32 $0x5080;
	v3 =	vadd.s32 v1, v3  }
0x15a: {  	[tilespmem:s30], [sflag:$0x1] =	stream.indirect_vreg.gather [hbm4b:s5+s1], $0x80, v4, vm0, $0xb8;
	[tilespmem:$0x10080] =	vst v63  }
0x15b: {  	s17 =	simm.s32 $0x5880  }
0x15c: {  	[tilespmem:s17], [sflag:$0x1] =	stream.indirect_vreg.gather [hbm4b:s6+s1], $0x80, v4, vm0, $0xb8;
	[tilespmem:$0x10080] =	vst v63  }
0x15d: {  	s0 =	simm.s32 $0x6080  }
0x15e: {  	[tilespmem:s0], [sflag:$0x1] =	stream.indirect_vreg.gather [hbm4b:s3+s1], $0x80, v3, vm0, $0xb8;
	[tilespmem:$0x10080] =	vst v63  }
0x15f: {  	s2 =	simm.s32 $0x6880  }
0x160: {  	[tilespmem:s2], [sflag:$0x1] =	stream.indirect_vreg.gather [hbm4b:s4+s1], $0x80, v3, vm0, $0xb8;
	[tilespmem:$0x10080] =	vst v63  }
0x161: {  	s9 =	simm.s32 $0x7080  }
0x162: {  	[tilespmem:s9], [sflag:$0x1] =	stream.indirect_vreg.gather [hbm4b:s5+s1], $0x80, v3, vm0, $0xb8;
	[tilespmem:$0x10080] =	vst v63  }
0x163: {  	s13 =	simm.s32 $0x7880  }
0x164: {  	[tilespmem:s13], [sflag:$0x1] =	stream.indirect_vreg.gather [hbm4b:s6+s1], $0x80, v3, vm0, $0xb8;
	[tilespmem:$0x10080] =	vst v63  }
0x165: {  	v3 =	vld [tilespmem:$0x20];
	_ =	sdelay $0x4  }
0x166: {  	v62 =	vshll.u32 v3, $0x3  }
0x167: {  	v3 =	vand.u32 $0x7, v3;
	v4 =	vand.u32 $0xFFFFFFC0, v62  }
0x168: {  	v3 =	vor.u32 v3, v4  }
0x169: {  	v4 =	vperm.xlane v3, v0;
	_ =	sdelay $0x1  }
0x16a: {  	v4 =	vadd.s32 v1, v4;
	_ =	sdelay $0x3  }
0x16b: {  	s14 =	simm.s32 $0x8080  }
0x16c: {  	[tilespmem:s14], [sflag:$0x1] =	stream.indirect_vreg.gather [hbm4b:s3+s1], $0x80, v4, vm0, $0xb8;
	[tilespmem:$0x10080] =	vst v63  }
0x16d: {  	s15 =	simm.s32 $0x8880;
	v3 =	vperm.xlane v3, v2  }
0x16e: {  	[tilespmem:s15], [sflag:$0x1] =	stream.indirect_vreg.gather [hbm4b:s4+s1], $0x80, v4, vm0, $0xb8;
	[tilespmem:$0x10080] =	vst v63  }
0x16f: {  	s10 =	simm.s32 $0x9080;
	v3 =	vadd.s32 v1, v3  }
0x170: {  	[tilespmem:s10], [sflag:$0x1] =	stream.indirect_vreg.gather [hbm4b:s5+s1], $0x80, v4, vm0, $0xb8;
	[tilespmem:$0x10080] =	vst v63  }
0x171: {  	s11 =	simm.s32 $0x9880  }
0x172: {  	[tilespmem:s11], [sflag:$0x1] =	stream.indirect_vreg.gather [hbm4b:s6+s1], $0x80, v4, vm0, $0xb8;
	[tilespmem:$0x10080] =	vst v63  }
0x173: {  	s12 =	simm.s32 $0xA080  }
0x174: {  	[tilespmem:s12], [sflag:$0x1] =	stream.indirect_vreg.gather [hbm4b:s3+s1], $0x80, v3, vm0, $0xb8;
	[tilespmem:$0x10080] =	vst v63  }
0x175: {  	s31 =	simm.s32 $0xA880  }
0x176: {  	[tilespmem:s31], [sflag:$0x1] =	stream.indirect_vreg.gather [hbm4b:s4+s1], $0x80, v3, vm0, $0xb8;
	[tilespmem:$0x10080] =	vst v63  }
0x177: {  	s19 =	simm.s32 $0xB080  }
0x178: {  	[tilespmem:s19], [sflag:$0x1] =	stream.indirect_vreg.gather [hbm4b:s5+s1], $0x80, v3, vm0, $0xb8;
	[tilespmem:$0x10080] =	vst v63  }
0x179: {  	s21 =	simm.s32 $0xB880  }
0x17a: {  	[tilespmem:s21], [sflag:$0x1] =	stream.indirect_vreg.gather [hbm4b:s6+s1], $0x80, v3, vm0, $0xb8;
	[tilespmem:$0x10080] =	vst v63  }
0x17b: {  	v3 =	vld [tilespmem:$0x30];
	_ =	sdelay $0x4  }
0x17c: {  	v63 =	vshll.u32 v3, $0x3  }
0x17d: {  	v3 =	vand.u32 $0x7, v3;
	v4 =	vand.u32 $0xFFFFFFC0, v63  }
0x17e: {  	v3 =	vor.u32 v3, v4  }
0x17f: {  	v4 =	vperm.xlane v3, v0;
	_ =	sdelay $0x1  }
0x180: {  	v4 =	vadd.s32 v1, v4;
	_ =	sdelay $0x3  }
0x181: {  	s29 =	simm.s32 $0xC080  }
0x182: {  	[tilespmem:s29], [sflag:$0x1] =	stream.indirect_vreg.gather [hbm4b:s3+s1], $0x80, v4, vm0, $0xb8;
	[tilespmem:$0x10080] =	vst v63  }
0x183: {  	s30 =	simm.s32 $0xC880;
	v3 =	vperm.xlane v3, v2  }
0x184: {  	[tilespmem:s30], [sflag:$0x1] =	stream.indirect_vreg.gather [hbm4b:s4+s1], $0x80, v4, vm0, $0xb8;
	[tilespmem:$0x10080] =	vst v63  }
0x185: {  	s28 =	simm.s32 $0xD080;
	v3 =	vadd.s32 v1, v3  }
0x186: {  	[tilespmem:s28], [sflag:$0x1] =	stream.indirect_vreg.gather [hbm4b:s5+s1], $0x80, v4, vm0, $0xb8;
	[tilespmem:$0x10080] =	vst v63  }
0x187: {  	s20 =	simm.s32 $0xD880  }
0x188: {  	[tilespmem:s20], [sflag:$0x1] =	stream.indirect_vreg.gather [hbm4b:s6+s1], $0x80, v4, vm0, $0xb8;
	[tilespmem:$0x10080] =	vst v63  }
0x189: {  	s24 =	simm.s32 $0xE080  }
0x18a: {  	[tilespmem:s24], [sflag:$0x1] =	stream.indirect_vreg.gather [hbm4b:s3+s1], $0x80, v3, vm0, $0xb8;
	[tilespmem:$0x10080] =	vst v63  }
0x18b: {  	s22 =	simm.s32 $0xE880  }
0x18c: {  	[tilespmem:s22], [sflag:$0x1] =	stream.indirect_vreg.gather [hbm4b:s4+s1], $0x80, v3, vm0, $0xb8;
	[tilespmem:$0x10080] =	vst v63  }
0x18d: {  	s25 =	simm.s32 $0xF080  }
0x18e: {  	[tilespmem:s25], [sflag:$0x1] =	stream.indirect_vreg.gather [hbm4b:s5+s1], $0x80, v3, vm0, $0xb8;
	[tilespmem:$0x10080] =	vst v63  }
0x18f: {  	s26 =	simm.s32 $0xF880  }
0x190: {  	[tilespmem:s26], [sflag:$0x1] =	stream.indirect_vreg.gather [hbm4b:s6+s1], $0x80, v3, vm0, $0xb8;
	[tilespmem:$0x10080] =	vst v63  }
0x191: {  	_ =	swait.ge [sflag:s18], $0x10000  }
0x192: {  	p0 =	sne.s32 s7, $0x1;
	[sflag:s18] =	ssyncset.done $0x0  }
.Ltmp0:
0x193: {  	s31 =	rddreg [dreg:$0x9];
	[sflag:s18] =	ssyncadd.s32 $0xFFFF0000;
	(pc) =	sbr.rel @p0 .LBB2_1-.Ltmp0, $4  }
0x194: {  	[hbm4b:s31+s1] =	stream.linear.scatter [tilespmem:s23], [sflag:$0x2], $0x10000, $0x38;
	[tilespmem:$0x10080] =	vst v63  }
0x195: {  	_ =	swait.ge [sflag:s8], $0x10000  }
0x196: {  	[sflag:s8] =	ssyncset.done $0x0  }
0x197: {  	s7 =	sadd.s32 $0xFFFFFFFF, s7;
	[sflag:s8] =	ssyncadd.s32 $0xFFFF0000  }
0x198: {  	_ =	sfence.sel $0x180000  }
0x199: {  	[bflag:$0x0] =	sbarrier.arrive $0xFFFF  }
0x19a: {  	_ =	strace $0x9000004A  }
0x19b: {  	s0 =	stileid.u32;
	[bflag:$0x2] =	sbarrier.arrive $0xFFFF  }
0x19c: {  	p0 =	sne.s32 s0, $0x0;
	s0 =	rddreg [dreg:$0x1]  }
0x19d: {  	s0 =	sadd.s32 @!p0 $0x100000, s0  }
0x19e: {  	[sflag:s0] =	ssyncadd.tile.s32 @!p0 $0x1;
	_ =	shalt  }
.Lfunc_end2:
_tile_overlayer_lowered:
.L_overlay_start_2:
0x19f: {  	(tag) =	ssettag $0x2  }
0x1a0: {  	s0 =	rddreg [dreg:$0x0];
	s2 =	stileid.u32  }
0x1a1: {  	s1 =	rddreg [dreg:$0x1];
	p0 =	sne.s32 s2, $0x0  }
0x1a2: {  	s3 =	rddreg [dreg:$0x2];
	[bflag:$0x3] =	sbarrier.arrive $0xFFFF;
	s2 =	simm.s32 @!p0 $0x1C02  }
0x1a3: {  	[timem:s3], [sflag:s2] =	dma.local @!p0 [hbm:s0], s1  }
0x1a4: {  	s0 =	simm.s32 @!p0 $0x2  }
0x1a5: {  	_ =	swait.ge @!p0 [sflag:s0], s1  }
0x1a6: {  	s1 =	ssub.s32 @!p0 $0x0, s1;
	[sflag:s0] =	ssyncset.done @!p0 $0x0  }
0x1a7: {  	[sflag:s0] =	ssyncadd.s32 @!p0 s1  }
0x1a8: {  	[bflag:$0x3] =	sbarrier.arrive $0xFFFF  }
0x1a9: {  	_ =	shalt  }

</sc_bundles>
